<compile_context>
chip_gen: v7x
topology: tpu7x:2x2x1
jax: 0.10.2.dev20260603
libtpu: 0.0.44.dev20260713+nightly
codegen_flags: <defaults>
</compile_context>

<pallas_src>
import jax
import jax.numpy as jnp
from jax.experimental import pallas as pl
from jax.experimental.pallas import tpu as pltpu
from jax.experimental.pallas import tpu_sc as plsc

_NC, _NS = 2, 16
_CHUNK = 48
_NBUF = 2
_HEAD = 896
_TAILW = 128


def _sc_gather2(table, tail, idx_flat):
    nidx = idx_flat.shape[0]
    nw = _NC * _NS
    per_w = nidx // nw
    rounds = per_w // _CHUNK
    mesh = plsc.VectorSubcoreMesh(core_axis_name="c", subcore_axis_name="s")

    scratch = []
    for _ in range(_NBUF):
        scratch += [
            pltpu.VMEM((_CHUNK,), jnp.int32),
            pltpu.VMEM((_CHUNK, _HEAD), jnp.float32),
            pltpu.VMEM((_CHUNK, _TAILW), jnp.float32),
            pltpu.SemaphoreType.DMA,
            pltpu.SemaphoreType.DMA,
            pltpu.SemaphoreType.DMA,
            pltpu.SemaphoreType.DMA,
        ]

    @pl.kernel(
        out_type=(
            jax.ShapeDtypeStruct((nidx, _HEAD), jnp.float32),
            jax.ShapeDtypeStruct((nidx, _TAILW), jnp.float32),
        ),
        mesh=mesh,
        scratch_types=scratch,
    )
    def gather_kernel(tbl_hbm, tail_hbm, idx_hbm, oh_hbm, ot_hbm, *bufs):
        idx_v = bufs[0::7]
        rows_h = bufs[1::7]
        rows_t = bufs[2::7]
        gsh = bufs[3::7]
        gst = bufs[4::7]
        wsh = bufs[5::7]
        wst = bufs[6::7]
        wid = jax.lax.axis_index("s") * _NC + jax.lax.axis_index("c")
        base = wid * per_w

        def start_gather(rnd, slot):
            off = base + rnd * _CHUNK
            pltpu.sync_copy(idx_hbm.at[pl.ds(off, _CHUNK)], idx_v[slot])
            pltpu.async_copy(
                tbl_hbm.at[idx_v[slot], pl.ds(0, _HEAD)], rows_h[slot], gsh[slot]
            )
            pltpu.async_copy(tail_hbm.at[idx_v[slot]], rows_t[slot], gst[slot])

        for slot in range(_NBUF):
            start_gather(slot, slot)

        @pl.loop(0, rounds // _NBUF)
        def _(t):
            cur0 = t * _NBUF
            for slot in range(_NBUF):
                cur = cur0 + slot
                off = base + cur * _CHUNK
                pltpu.make_async_copy(
                    tbl_hbm.at[idx_v[slot], pl.ds(0, _HEAD)], rows_h[slot], gsh[slot]
                ).wait()
                pltpu.make_async_copy(
                    tail_hbm.at[idx_v[slot]], rows_t[slot], gst[slot]
                ).wait()
                pltpu.async_copy(rows_h[slot], oh_hbm.at[pl.ds(off, _CHUNK)], wsh[slot])
                pltpu.async_copy(rows_t[slot], ot_hbm.at[pl.ds(off, _CHUNK)], wst[slot])
                nxt = cur + _NBUF

                @pl.when(nxt < rounds)
                def _():
                    pltpu.make_async_copy(
                        rows_h[slot], oh_hbm.at[pl.ds(base, _CHUNK)], wsh[slot]
                    ).wait()
                    pltpu.make_async_copy(
                        rows_t[slot], ot_hbm.at[pl.ds(base, _CHUNK)], wst[slot]
                    ).wait()
                    start_gather(nxt, slot)

        for slot in range(_NBUF):
            pltpu.make_async_copy(
                rows_h[slot], oh_hbm.at[pl.ds(base, _CHUNK)], wsh[slot]
            ).wait()
            pltpu.make_async_copy(
                rows_t[slot], ot_hbm.at[pl.ds(base, _CHUNK)], wst[slot]
            ).wait()

    return gather_kernel(table, tail, idx_flat)


def _epilogue_body(gh_ref, gt_ref, x_ref, bh_ref, bt_ref, wh_ref, wt_ref, fb_ref, o_ref):
    n_pool = gh_ref.shape[1]
    bb = gh_ref.shape[2]
    emb = wh_ref.shape[2]
    m = (x_ref[...] != 0).astype(jnp.float32)
    bias_h = bh_ref[...]
    bias_t = bt_ref[...]
    out = jnp.zeros((bb, emb), jnp.float32)
    sq = jnp.zeros((bb,), jnp.float32)
    for p in range(n_pool):
        hs = []
        for j in range(2):
            mk = m[:, j * n_pool + p : j * n_pool + p + 1]
            sh = gh_ref[j, p] * mk
            st = gt_ref[j, p] * mk
            for g in range(1, 3):
                k = 2 * g + j
                mk = m[:, k * n_pool + p : k * n_pool + p + 1]
                sh = sh + gh_ref[k, p] * mk
                st = st + gt_ref[k, p] * mk
            hs.append(
                (jnp.maximum(sh + bias_h, 0.0), jnp.maximum(st + bias_t, 0.0))
            )
        ph = 0.5 * (hs[0][0] + hs[1][0])
        pt = 0.5 * (hs[0][1] + hs[1][1])
        sq = sq + jnp.sum(ph * ph, axis=1) + jnp.sum(pt * pt, axis=1)
        out = out + jnp.dot(ph, wh_ref[p], preferred_element_type=jnp.float32)
        out = out + jnp.dot(pt, wt_ref[p], preferred_element_type=jnp.float32)
    t = jax.lax.rsqrt(1.0 + sq)
    o_ref[...] = out * t[:, None] + fb_ref[...]


def kernel(x, embed, bias, fc_w, fc_b):
    b, sent_len, ngram = x.shape
    d, co = embed.shape
    emb = fc_w.shape[0]
    n_pool = 10
    k = sent_len // n_pool

    x = x.astype(jnp.int32)
    xg = (
        x.transpose(2, 1, 0)
        .reshape(ngram, n_pool, k, b)
        .transpose(0, 2, 1, 3)
        .reshape(ngram * k, n_pool, b)
    )
    idx_flat = xg.reshape(ngram * k * n_pool * b)
    xq = xg.reshape(ngram * k * n_pool, b).transpose(1, 0)

    tail = jnp.pad(embed[:, _HEAD:], ((0, 0), (0, _TAILW - (co - _HEAD))))

    g_head, g_tail = _sc_gather2(embed, tail, idx_flat)
    g_head = g_head.reshape(ngram * k, n_pool, b, _HEAD)
    g_tail = g_tail.reshape(ngram * k, n_pool, b, _TAILW)

    wt = fc_w.reshape(emb, co, n_pool).transpose(2, 1, 0)
    wt_h = wt[:, :_HEAD, :]
    wt_t = jnp.pad(wt[:, _HEAD:, :], ((0, 0), (0, _TAILW - (co - _HEAD)), (0, 0)))
    bias_h = bias.reshape(1, co)[:, :_HEAD]
    bias_t = jnp.pad(bias.reshape(1, co)[:, _HEAD:], ((0, 0), (0, _TAILW - (co - _HEAD))))

    bb = 64
    out = pl.pallas_call(
        _epilogue_body,
        grid=(b // bb,),
        in_specs=[
            pl.BlockSpec((ngram * k, n_pool, bb, _HEAD), lambda i: (0, 0, i, 0)),
            pl.BlockSpec((ngram * k, n_pool, bb, _TAILW), lambda i: (0, 0, i, 0)),
            pl.BlockSpec((bb, ngram * k * n_pool), lambda i: (i, 0)),
            pl.BlockSpec((1, _HEAD), lambda i: (0, 0)),
            pl.BlockSpec((1, _TAILW), lambda i: (0, 0)),
            pl.BlockSpec((n_pool, _HEAD, emb), lambda i: (0, 0, 0)),
            pl.BlockSpec((n_pool, _TAILW, emb), lambda i: (0, 0, 0)),
            pl.BlockSpec((1, emb), lambda i: (0, 0)),
        ],
        out_specs=pl.BlockSpec((bb, emb), lambda i: (i, 0)),
        out_shape=jax.ShapeDtypeStruct((b, emb), jnp.float32),
    )(g_head, g_tail, xq, bias_h, bias_t, wt_h, wt_t, fc_b.reshape(1, emb))
    return out

# --- scband reference (transcript-rebuilt; emitter-appended) ---
"""Pipeline reference for scband-ohcnn-fast-90142773608525 (READ-ONLY COPY).

The authoritative reference and input builder live on the scoring server;
editing this copy changes nothing except your own understanding.
"""

import jax, jax.numpy as jnp
import numpy as np

D = 100000      # len(vocab_dict)
CO = 1000       # hardcoded in module
N_POOL = 10     # hardcoded in module
EMB_DIM = 128   # emb_dim init arg
UNK_IDX = 0     # vocab_dict['UNK']
B, SENT_LEN, NGRAM = 1024, 20, 3


def setup_inputs(seed: int = 0):
    key = jax.random.key(seed)
    k1, k2, k3, k4 = jax.random.split(key, 4)
    x = jax.random.randint(k1, (B, SENT_LEN, NGRAM), 0, D)
    stdv = 1.0 / np.sqrt(D)
    embed = jax.random.uniform(k2, (D, CO), minval=-stdv, maxval=stdv, dtype=jnp.float32)
    bias = jax.random.uniform(k3, (1, CO, 1), minval=-stdv, maxval=stdv, dtype=jnp.float32)
    fc_w = jax.random.normal(k4, (EMB_DIM, N_POOL * CO), dtype=jnp.float32) * 0.01
    fc_b = jnp.zeros((EMB_DIM,), dtype=jnp.float32)
    return {"x": x, "embed": embed, "bias": bias, "fc_w": fc_w, "fc_b": fc_b}


def reference(x, embed, bias, fc_w, fc_b):
    b = x.shape[0]
    sent_len = x.shape[1]
    xf = x.reshape(b, -1)                                  # [B, L*g]
    xe = jnp.take(embed, xf, axis=0)                       # embedding gather [B, L*g, Co]
    xe = (xf != UNK_IDX).astype(jnp.float32)[..., None] * xe
    xe = xe.reshape(b, sent_len, -1, CO)                   # [B, L, g, Co]
    h = jax.nn.relu(jnp.transpose(xe.sum(axis=2), (0, 2, 1)) + bias)   # [B, Co, L]
    k = sent_len // N_POOL                                 # avg_pool1d kernel=stride=k
    pooled = h.reshape(b, CO, N_POOL, k).mean(axis=3)      # [B, Co, 10]
    flat = pooled.reshape(b, CO * N_POOL)                  # matches torch .view(-1, n_pool*Co)
    t = jnp.sqrt(1.0 + jnp.sum(flat * flat, axis=1))
    flat = flat / t[:, None]
    return flat @ fc_w.T + fc_b                            # [B, emb_dim]

if __name__ == "__main__":
    import jax
    _d = setup_inputs()
    print(jax.jit(kernel)(*tuple(_d.values())))

</pallas_src>

<mosaic_0001>
#map = affine_map<(d0, d1) -> (0, 0)>
#map1 = affine_map<(d0, d1) -> (0)>
module attributes {stable_mosaic.version = 14 : i64} {
  func.func @gather_kernel(%arg0: i32, %arg1: i32, %arg2: memref<100000x1000xf32, #tpu.memory_space<hbm>>, %arg3: memref<100000x128xf32, #tpu.memory_space<hbm>>, %arg4: memref<61440xi32, #tpu.memory_space<hbm>>, %arg5: memref<61440x896xf32, #tpu.memory_space<hbm>>, %arg6: memref<61440x128xf32, #tpu.memory_space<hbm>>, %arg7: memref<48xi32, #tpu.memory_space<vmem>>, %arg8: memref<48x896xf32, #tpu.memory_space<vmem>>, %arg9: memref<48x128xf32, #tpu.memory_space<vmem>>, %arg10: memref<!tpu.dma_semaphore, #tpu.memory_space<semaphore_mem>>, %arg11: memref<!tpu.dma_semaphore, #tpu.memory_space<semaphore_mem>>, %arg12: memref<!tpu.dma_semaphore, #tpu.memory_space<semaphore_mem>>, %arg13: memref<!tpu.dma_semaphore, #tpu.memory_space<semaphore_mem>>, %arg14: memref<48xi32, #tpu.memory_space<vmem>>, %arg15: memref<48x896xf32, #tpu.memory_space<vmem>>, %arg16: memref<48x128xf32, #tpu.memory_space<vmem>>, %arg17: memref<!tpu.dma_semaphore, #tpu.memory_space<semaphore_mem>>, %arg18: memref<!tpu.dma_semaphore, #tpu.memory_space<semaphore_mem>>, %arg19: memref<!tpu.dma_semaphore, #tpu.memory_space<semaphore_mem>>, %arg20: memref<!tpu.dma_semaphore, #tpu.memory_space<semaphore_mem>>) attributes {dimension_semantics = [#tpu.dimension_semantics<core_parallel>, #tpu.dimension_semantics<subcore_parallel>], iteration_bounds = array<i64: 2, 16>, scalar_prefetch = 0 : i64, scratch_operands = 14 : i64, tpu.core_type = #tpu.core_type<sc_vector_subcore>, window_params = [{transform_indices = #map}, {transform_indices = #map}, {transform_indices = #map1}, {transform_indices = #map}, {transform_indices = #map}]} {
    %mul3A = arith.constant 2 : i32
    %mul3A_0 = arith.muli %arg1, %mul3A : i32
    %add3A = arith.addi %mul3A_0, %arg0 : i32
    %mul3A_1 = arith.constant 1920 : i32
    %mul3A_2 = arith.muli %add3A, %mul3A_1 : i32
    %add3A_3 = arith.constant 0 : i32
    %add3A_4 = arith.addi %mul3A_2, %add3A_3 : i32
    "tpu.region"() ({
      %run_scoped3A = tpu.sem_alloc : memref<!tpu.dma_semaphore, #tpu.memory_space<semaphore_mem>>
      %dma_start3A_37 = tpu.memref_slice %arg4[%add3A_4] : memref<61440xi32, #tpu.memory_space<hbm>> -> memref<48xi32, #tpu.memory_space<hbm>>
      %dma_start3A_38 = tpu.memref_slice %arg4[%add3A_4] : memref<61440xi32, #tpu.memory_space<hbm>> -> memref<48xi32, #tpu.memory_space<hbm>>
      tpu.enqueue_dma source(%dma_start3A_38 : memref<48xi32, #tpu.memory_space<hbm>>) target(%arg7 : memref<48xi32, #tpu.memory_space<vmem>>) target_semaphore(%run_scoped3A : memref<!tpu.dma_semaphore, #tpu.memory_space<semaphore_mem>>)
      %dma_wait3A_39 = tpu.memref_slice %arg4[%add3A_4] : memref<61440xi32, #tpu.memory_space<hbm>> -> memref<48xi32, #tpu.memory_space<hbm>>
      %dma_wait3A_40 = tpu.memref_slice %arg4[%add3A_4] : memref<61440xi32, #tpu.memory_space<hbm>> -> memref<48xi32, #tpu.memory_space<hbm>>
      tpu.wait_dma2 semaphore(%run_scoped3A : memref<!tpu.dma_semaphore, #tpu.memory_space<semaphore_mem>>) src(%dma_wait3A_40 : memref<48xi32, #tpu.memory_space<hbm>>) dst(%arg7 : memref<48xi32, #tpu.memory_space<vmem>>)
      tpu.yield
    }) : () -> ()
    %dma_start3A = arith.constant 0 : i32
    %dma_start3A_5 = arith.constant 0 : i32
    %dma_start3A_6 = tpu.memref_slice %arg2[%dma_start3A, %dma_start3A_5] : memref<100000x1000xf32, #tpu.memory_space<hbm>> -> memref<100000x896xf32, #tpu.memory_space<hbm>>
    tpu.enqueue_indirect_dma source(%dma_start3A_6 : memref<100000x896xf32, #tpu.memory_space<hbm>>) target(%arg8 : memref<48x896xf32, #tpu.memory_space<vmem>>) offsets(%arg7 : memref<48xi32, #tpu.memory_space<vmem>>) semaphore(%arg10 : memref<!tpu.dma_semaphore, #tpu.memory_space<semaphore_mem>>)
    %dma_start3A_7 = arith.constant 0 : i32
    %dma_start3A_8 = arith.constant 0 : i32
    %dma_start3A_9 = tpu.memref_slice %arg3[%dma_start3A_7, %dma_start3A_8] : memref<100000x128xf32, #tpu.memory_space<hbm>> -> memref<100000x128xf32, #tpu.memory_space<hbm>>
    tpu.enqueue_indirect_dma source(%dma_start3A_9 : memref<100000x128xf32, #tpu.memory_space<hbm>>) target(%arg9 : memref<48x128xf32, #tpu.memory_space<vmem>>) offsets(%arg7 : memref<48xi32, #tpu.memory_space<vmem>>) semaphore(%arg11 : memref<!tpu.dma_semaphore, #tpu.memory_space<semaphore_mem>>)
    %add3A_10 = arith.constant 48 : i32
    %add3A_11 = arith.addi %mul3A_2, %add3A_10 : i32
    "tpu.region"() ({
      %run_scoped3A = tpu.sem_alloc : memref<!tpu.dma_semaphore, #tpu.memory_space<semaphore_mem>>
      %dma_start3A_37 = tpu.memref_slice %arg4[%add3A_11] : memref<61440xi32, #tpu.memory_space<hbm>> -> memref<48xi32, #tpu.memory_space<hbm>>
      %dma_start3A_38 = tpu.memref_slice %arg4[%add3A_11] : memref<61440xi32, #tpu.memory_space<hbm>> -> memref<48xi32, #tpu.memory_space<hbm>>
      tpu.enqueue_dma source(%dma_start3A_38 : memref<48xi32, #tpu.memory_space<hbm>>) target(%arg14 : memref<48xi32, #tpu.memory_space<vmem>>) target_semaphore(%run_scoped3A : memref<!tpu.dma_semaphore, #tpu.memory_space<semaphore_mem>>)
      %dma_wait3A_39 = tpu.memref_slice %arg4[%add3A_11] : memref<61440xi32, #tpu.memory_space<hbm>> -> memref<48xi32, #tpu.memory_space<hbm>>
      %dma_wait3A_40 = tpu.memref_slice %arg4[%add3A_11] : memref<61440xi32, #tpu.memory_space<hbm>> -> memref<48xi32, #tpu.memory_space<hbm>>
      tpu.wait_dma2 semaphore(%run_scoped3A : memref<!tpu.dma_semaphore, #tpu.memory_space<semaphore_mem>>) src(%dma_wait3A_40 : memref<48xi32, #tpu.memory_space<hbm>>) dst(%arg14 : memref<48xi32, #tpu.memory_space<vmem>>)
      tpu.yield
    }) : () -> ()
    %dma_start3A_12 = arith.constant 0 : i32
    %dma_start3A_13 = arith.constant 0 : i32
    %dma_start3A_14 = tpu.memref_slice %arg2[%dma_start3A_12, %dma_start3A_13] : memref<100000x1000xf32, #tpu.memory_space<hbm>> -> memref<100000x896xf32, #tpu.memory_space<hbm>>
    tpu.enqueue_indirect_dma source(%dma_start3A_14 : memref<100000x896xf32, #tpu.memory_space<hbm>>) target(%arg15 : memref<48x896xf32, #tpu.memory_space<vmem>>) offsets(%arg14 : memref<48xi32, #tpu.memory_space<vmem>>) semaphore(%arg17 : memref<!tpu.dma_semaphore, #tpu.memory_space<semaphore_mem>>)
    %dma_start3A_15 = arith.constant 0 : i32
    %dma_start3A_16 = arith.constant 0 : i32
    %dma_start3A_17 = tpu.memref_slice %arg3[%dma_start3A_15, %dma_start3A_16] : memref<100000x128xf32, #tpu.memory_space<hbm>> -> memref<100000x128xf32, #tpu.memory_space<hbm>>
    tpu.enqueue_indirect_dma source(%dma_start3A_17 : memref<100000x128xf32, #tpu.memory_space<hbm>>) target(%arg16 : memref<48x128xf32, #tpu.memory_space<vmem>>) offsets(%arg14 : memref<48xi32, #tpu.memory_space<vmem>>) semaphore(%arg18 : memref<!tpu.dma_semaphore, #tpu.memory_space<semaphore_mem>>)
    %scan3A = arith.constant 0 : i32
    %scan3A_18 = arith.constant 20 : i32
    %scan3A_19 = arith.addi %scan3A, %scan3A_18 : i32
    %scan3A_20 = arith.constant 1 : i32
    scf.for %scan3A_37 = %scan3A to %scan3A_19 step %scan3A_20  : i32 {
      %mul3A_38 = arith.constant 1 : i32
      %mul3A_39 = arith.muli %scan3A_37, %mul3A_38 : i32
      %add3A_40 = arith.constant 0 : i32
      %add3A_41 = arith.addi %add3A_40, %mul3A_39 : i32
      %mul3A_42 = arith.constant 2 : i32
      %mul3A_43 = arith.muli %add3A_41, %mul3A_42 : i32
      %add3A_44 = arith.constant 0 : i32
      %add3A_45 = arith.addi %mul3A_43, %add3A_44 : i32
      %mul3A_46 = arith.constant 48 : i32
      %mul3A_47 = arith.muli %add3A_45, %mul3A_46 : i32
      %add3A_48 = arith.addi %mul3A_2, %mul3A_47 : i32
      %dma_wait3A_49 = arith.constant 0 : i32
      %dma_wait3A_50 = arith.constant 0 : i32
      %dma_wait3A_51 = tpu.memref_slice %arg2[%dma_wait3A_49, %dma_wait3A_50] : memref<100000x1000xf32, #tpu.memory_space<hbm>> -> memref<100000x896xf32, #tpu.memory_space<hbm>>
      tpu.wait_indirect_dma semaphore(%arg10 : memref<!tpu.dma_semaphore, #tpu.memory_space<semaphore_mem>>) src(%dma_wait3A_51 : memref<100000x896xf32, #tpu.memory_space<hbm>>) dst(%arg8 : memref<48x896xf32, #tpu.memory_space<vmem>>)
      %dma_wait3A_52 = arith.constant 0 : i32
      %dma_wait3A_53 = arith.constant 0 : i32
      %dma_wait3A_54 = tpu.memref_slice %arg3[%dma_wait3A_52, %dma_wait3A_53] : memref<100000x128xf32, #tpu.memory_space<hbm>> -> memref<100000x128xf32, #tpu.memory_space<hbm>>
      tpu.wait_indirect_dma semaphore(%arg11 : memref<!tpu.dma_semaphore, #tpu.memory_space<semaphore_mem>>) src(%dma_wait3A_54 : memref<100000x128xf32, #tpu.memory_space<hbm>>) dst(%arg9 : memref<48x128xf32, #tpu.memory_space<vmem>>)
      %dma_start3A_55 = arith.constant 0 : i32
      %dma_start3A_56 = tpu.memref_slice %arg5[%add3A_48, %dma_start3A_55] : memref<61440x896xf32, #tpu.memory_space<hbm>> -> memref<48x896xf32, #tpu.memory_space<hbm>>
      %dma_start3A_57 = arith.constant 0 : i32
      %dma_start3A_58 = tpu.memref_slice %arg5[%add3A_48, %dma_start3A_57] : memref<61440x896xf32, #tpu.memory_space<hbm>> -> memref<48x896xf32, #tpu.memory_space<hbm>>
      tpu.enqueue_dma source(%arg8 : memref<48x896xf32, #tpu.memory_space<vmem>>) target(%dma_start3A_58 : memref<48x896xf32, #tpu.memory_space<hbm>>) target_semaphore(%arg12 : memref<!tpu.dma_semaphore, #tpu.memory_space<semaphore_mem>>)
      %dma_start3A_59 = arith.constant 0 : i32
      %dma_start3A_60 = tpu.memref_slice %arg6[%add3A_48, %dma_start3A_59] : memref<61440x128xf32, #tpu.memory_space<hbm>> -> memref<48x128xf32, #tpu.memory_space<hbm>>
      %dma_start3A_61 = arith.constant 0 : i32
      %dma_start3A_62 = tpu.memref_slice %arg6[%add3A_48, %dma_start3A_61] : memref<61440x128xf32, #tpu.memory_space<hbm>> -> memref<48x128xf32, #tpu.memory_space<hbm>>
      tpu.enqueue_dma source(%arg9 : memref<48x128xf32, #tpu.memory_space<vmem>>) target(%dma_start3A_62 : memref<48x128xf32, #tpu.memory_space<hbm>>) target_semaphore(%arg13 : memref<!tpu.dma_semaphore, #tpu.memory_space<semaphore_mem>>)
      %add3A_63 = arith.constant 2 : i32
      %add3A_64 = arith.addi %add3A_45, %add3A_63 : i32
      %lt3A = arith.constant 40 : i32
      %lt3A_65 = arith.cmpi slt, %add3A_64, %lt3A : i32
      %convert_element_type3A = arith.extui %lt3A_65 : i1 to i32
      %cond3A = arith.constant 0 : i32
      %cond3A_66 = arith.cmpi ne, %convert_element_type3A, %cond3A : i32
      scf.if %cond3A_66 {
        %dma_wait3A_93 = arith.constant 0 : i32
        %dma_wait3A_94 = tpu.memref_slice %arg5[%mul3A_2, %dma_wait3A_93] : memref<61440x896xf32, #tpu.memory_space<hbm>> -> memref<48x896xf32, #tpu.memory_space<hbm>>
        %dma_wait3A_95 = arith.constant 0 : i32
        %dma_wait3A_96 = tpu.memref_slice %arg5[%mul3A_2, %dma_wait3A_95] : memref<61440x896xf32, #tpu.memory_space<hbm>> -> memref<48x896xf32, #tpu.memory_space<hbm>>
        tpu.wait_dma2 semaphore(%arg12 : memref<!tpu.dma_semaphore, #tpu.memory_space<semaphore_mem>>) src(%arg8 : memref<48x896xf32, #tpu.memory_space<vmem>>) dst(%dma_wait3A_96 : memref<48x896xf32, #tpu.memory_space<hbm>>)
        %dma_wait3A_97 = arith.constant 0 : i32
        %dma_wait3A_98 = tpu.memref_slice %arg6[%mul3A_2, %dma_wait3A_97] : memref<61440x128xf32, #tpu.memory_space<hbm>> -> memref<48x128xf32, #tpu.memory_space<hbm>>
        %dma_wait3A_99 = arith.constant 0 : i32
        %dma_wait3A_100 = tpu.memref_slice %arg6[%mul3A_2, %dma_wait3A_99] : memref<61440x128xf32, #tpu.memory_space<hbm>> -> memref<48x128xf32, #tpu.memory_space<hbm>>
        tpu.wait_dma2 semaphore(%arg13 : memref<!tpu.dma_semaphore, #tpu.memory_space<semaphore_mem>>) src(%arg9 : memref<48x128xf32, #tpu.memory_space<vmem>>) dst(%dma_wait3A_100 : memref<48x128xf32, #tpu.memory_space<hbm>>)
        %mul3A_101 = arith.constant 48 : i32
        %mul3A_102 = arith.muli %add3A_64, %mul3A_101 : i32
        %add3A_103 = arith.addi %mul3A_2, %mul3A_102 : i32
        "tpu.region"() ({
          %run_scoped3A = tpu.sem_alloc : memref<!tpu.dma_semaphore, #tpu.memory_space<semaphore_mem>>
          %dma_start3A_110 = tpu.memref_slice %arg4[%add3A_103] : memref<61440xi32, #tpu.memory_space<hbm>> -> memref<48xi32, #tpu.memory_space<hbm>>
          %dma_start3A_111 = tpu.memref_slice %arg4[%add3A_103] : memref<61440xi32, #tpu.memory_space<hbm>> -> memref<48xi32, #tpu.memory_space<hbm>>
          tpu.enqueue_dma source(%dma_start3A_111 : memref<48xi32, #tpu.memory_space<hbm>>) target(%arg7 : memref<48xi32, #tpu.memory_space<vmem>>) target_semaphore(%run_scoped3A : memref<!tpu.dma_semaphore, #tpu.memory_space<semaphore_mem>>)
          %dma_wait3A_112 = tpu.memref_slice %arg4[%add3A_103] : memref<61440xi32, #tpu.memory_space<hbm>> -> memref<48xi32, #tpu.memory_space<hbm>>
          %dma_wait3A_113 = tpu.memref_slice %arg4[%add3A_103] : memref<61440xi32, #tpu.memory_space<hbm>> -> memref<48xi32, #tpu.memory_space<hbm>>
          tpu.wait_dma2 semaphore(%run_scoped3A : memref<!tpu.dma_semaphore, #tpu.memory_space<semaphore_mem>>) src(%dma_wait3A_113 : memref<48xi32, #tpu.memory_space<hbm>>) dst(%arg7 : memref<48xi32, #tpu.memory_space<vmem>>)
          tpu.yield
        }) : () -> ()
        %dma_start3A_104 = arith.constant 0 : i32
        %dma_start3A_105 = arith.constant 0 : i32
        %dma_start3A_106 = tpu.memref_slice %arg2[%dma_start3A_104, %dma_start3A_105] : memref<100000x1000xf32, #tpu.memory_space<hbm>> -> memref<100000x896xf32, #tpu.memory_space<hbm>>
        tpu.enqueue_indirect_dma source(%dma_start3A_106 : memref<100000x896xf32, #tpu.memory_space<hbm>>) target(%arg8 : memref<48x896xf32, #tpu.memory_space<vmem>>) offsets(%arg7 : memref<48xi32, #tpu.memory_space<vmem>>) semaphore(%arg10 : memref<!tpu.dma_semaphore, #tpu.memory_space<semaphore_mem>>)
        %dma_start3A_107 = arith.constant 0 : i32
        %dma_start3A_108 = arith.constant 0 : i32
        %dma_start3A_109 = tpu.memref_slice %arg3[%dma_start3A_107, %dma_start3A_108] : memref<100000x128xf32, #tpu.memory_space<hbm>> -> memref<100000x128xf32, #tpu.memory_space<hbm>>
        tpu.enqueue_indirect_dma source(%dma_start3A_109 : memref<100000x128xf32, #tpu.memory_space<hbm>>) target(%arg9 : memref<48x128xf32, #tpu.memory_space<vmem>>) offsets(%arg7 : memref<48xi32, #tpu.memory_space<vmem>>) semaphore(%arg11 : memref<!tpu.dma_semaphore, #tpu.memory_space<semaphore_mem>>)
      } else {
      }
      %add3A_67 = arith.constant 1 : i32
      %add3A_68 = arith.addi %mul3A_43, %add3A_67 : i32
      %mul3A_69 = arith.constant 48 : i32
      %mul3A_70 = arith.muli %add3A_68, %mul3A_69 : i32
      %add3A_71 = arith.addi %mul3A_2, %mul3A_70 : i32
      %dma_wait3A_72 = arith.constant 0 : i32
      %dma_wait3A_73 = arith.constant 0 : i32
      %dma_wait3A_74 = tpu.memref_slice %arg2[%dma_wait3A_72, %dma_wait3A_73] : memref<100000x1000xf32, #tpu.memory_space<hbm>> -> memref<100000x896xf32, #tpu.memory_space<hbm>>
      tpu.wait_indirect_dma semaphore(%arg17 : memref<!tpu.dma_semaphore, #tpu.memory_space<semaphore_mem>>) src(%dma_wait3A_74 : memref<100000x896xf32, #tpu.memory_space<hbm>>) dst(%arg15 : memref<48x896xf32, #tpu.memory_space<vmem>>)
      %dma_wait3A_75 = arith.constant 0 : i32
      %dma_wait3A_76 = arith.constant 0 : i32
      %dma_wait3A_77 = tpu.memref_slice %arg3[%dma_wait3A_75, %dma_wait3A_76] : memref<100000x128xf32, #tpu.memory_space<hbm>> -> memref<100000x128xf32, #tpu.memory_space<hbm>>
      tpu.wait_indirect_dma semaphore(%arg18 : memref<!tpu.dma_semaphore, #tpu.memory_space<semaphore_mem>>) src(%dma_wait3A_77 : memref<100000x128xf32, #tpu.memory_space<hbm>>) dst(%arg16 : memref<48x128xf32, #tpu.memory_space<vmem>>)
      %dma_start3A_78 = arith.constant 0 : i32
      %dma_start3A_79 = tpu.memref_slice %arg5[%add3A_71, %dma_start3A_78] : memref<61440x896xf32, #tpu.memory_space<hbm>> -> memref<48x896xf32, #tpu.memory_space<hbm>>
      %dma_start3A_80 = arith.constant 0 : i32
      %dma_start3A_81 = tpu.memref_slice %arg5[%add3A_71, %dma_start3A_80] : memref<61440x896xf32, #tpu.memory_space<hbm>> -> memref<48x896xf32, #tpu.memory_space<hbm>>
      tpu.enqueue_dma source(%arg15 : memref<48x896xf32, #tpu.memory_space<vmem>>) target(%dma_start3A_81 : memref<48x896xf32, #tpu.memory_space<hbm>>) target_semaphore(%arg19 : memref<!tpu.dma_semaphore, #tpu.memory_space<semaphore_mem>>)
      %dma_start3A_82 = arith.constant 0 : i32
      %dma_start3A_83 = tpu.memref_slice %arg6[%add3A_71, %dma_start3A_82] : memref<61440x128xf32, #tpu.memory_space<hbm>> -> memref<48x128xf32, #tpu.memory_space<hbm>>
      %dma_start3A_84 = arith.constant 0 : i32
      %dma_start3A_85 = tpu.memref_slice %arg6[%add3A_71, %dma_start3A_84] : memref<61440x128xf32, #tpu.memory_space<hbm>> -> memref<48x128xf32, #tpu.memory_space<hbm>>
      tpu.enqueue_dma source(%arg16 : memref<48x128xf32, #tpu.memory_space<vmem>>) target(%dma_start3A_85 : memref<48x128xf32, #tpu.memory_space<hbm>>) target_semaphore(%arg20 : memref<!tpu.dma_semaphore, #tpu.memory_space<semaphore_mem>>)
      %add3A_86 = arith.constant 2 : i32
      %add3A_87 = arith.addi %add3A_68, %add3A_86 : i32
      %lt3A_88 = arith.constant 40 : i32
      %lt3A_89 = arith.cmpi slt, %add3A_87, %lt3A_88 : i32
      %convert_element_type3A_90 = arith.extui %lt3A_89 : i1 to i32
      %cond3A_91 = arith.constant 0 : i32
      %cond3A_92 = arith.cmpi ne, %convert_element_type3A_90, %cond3A_91 : i32
      scf.if %cond3A_92 {
        %dma_wait3A_93 = arith.constant 0 : i32
        %dma_wait3A_94 = tpu.memref_slice %arg5[%mul3A_2, %dma_wait3A_93] : memref<61440x896xf32, #tpu.memory_space<hbm>> -> memref<48x896xf32, #tpu.memory_space<hbm>>
        %dma_wait3A_95 = arith.constant 0 : i32
        %dma_wait3A_96 = tpu.memref_slice %arg5[%mul3A_2, %dma_wait3A_95] : memref<61440x896xf32, #tpu.memory_space<hbm>> -> memref<48x896xf32, #tpu.memory_space<hbm>>
        tpu.wait_dma2 semaphore(%arg19 : memref<!tpu.dma_semaphore, #tpu.memory_space<semaphore_mem>>) src(%arg15 : memref<48x896xf32, #tpu.memory_space<vmem>>) dst(%dma_wait3A_96 : memref<48x896xf32, #tpu.memory_space<hbm>>)
        %dma_wait3A_97 = arith.constant 0 : i32
        %dma_wait3A_98 = tpu.memref_slice %arg6[%mul3A_2, %dma_wait3A_97] : memref<61440x128xf32, #tpu.memory_space<hbm>> -> memref<48x128xf32, #tpu.memory_space<hbm>>
        %dma_wait3A_99 = arith.constant 0 : i32
        %dma_wait3A_100 = tpu.memref_slice %arg6[%mul3A_2, %dma_wait3A_99] : memref<61440x128xf32, #tpu.memory_space<hbm>> -> memref<48x128xf32, #tpu.memory_space<hbm>>
        tpu.wait_dma2 semaphore(%arg20 : memref<!tpu.dma_semaphore, #tpu.memory_space<semaphore_mem>>) src(%arg16 : memref<48x128xf32, #tpu.memory_space<vmem>>) dst(%dma_wait3A_100 : memref<48x128xf32, #tpu.memory_space<hbm>>)
        %mul3A_101 = arith.constant 48 : i32
        %mul3A_102 = arith.muli %add3A_87, %mul3A_101 : i32
        %add3A_103 = arith.addi %mul3A_2, %mul3A_102 : i32
        "tpu.region"() ({
          %run_scoped3A = tpu.sem_alloc : memref<!tpu.dma_semaphore, #tpu.memory_space<semaphore_mem>>
          %dma_start3A_110 = tpu.memref_slice %arg4[%add3A_103] : memref<61440xi32, #tpu.memory_space<hbm>> -> memref<48xi32, #tpu.memory_space<hbm>>
          %dma_start3A_111 = tpu.memref_slice %arg4[%add3A_103] : memref<61440xi32, #tpu.memory_space<hbm>> -> memref<48xi32, #tpu.memory_space<hbm>>
          tpu.enqueue_dma source(%dma_start3A_111 : memref<48xi32, #tpu.memory_space<hbm>>) target(%arg14 : memref<48xi32, #tpu.memory_space<vmem>>) target_semaphore(%run_scoped3A : memref<!tpu.dma_semaphore, #tpu.memory_space<semaphore_mem>>)
          %dma_wait3A_112 = tpu.memref_slice %arg4[%add3A_103] : memref<61440xi32, #tpu.memory_space<hbm>> -> memref<48xi32, #tpu.memory_space<hbm>>
          %dma_wait3A_113 = tpu.memref_slice %arg4[%add3A_103] : memref<61440xi32, #tpu.memory_space<hbm>> -> memref<48xi32, #tpu.memory_space<hbm>>
          tpu.wait_dma2 semaphore(%run_scoped3A : memref<!tpu.dma_semaphore, #tpu.memory_space<semaphore_mem>>) src(%dma_wait3A_113 : memref<48xi32, #tpu.memory_space<hbm>>) dst(%arg14 : memref<48xi32, #tpu.memory_space<vmem>>)
          tpu.yield
        }) : () -> ()
        %dma_start3A_104 = arith.constant 0 : i32
        %dma_start3A_105 = arith.constant 0 : i32
        %dma_start3A_106 = tpu.memref_slice %arg2[%dma_start3A_104, %dma_start3A_105] : memref<100000x1000xf32, #tpu.memory_space<hbm>> -> memref<100000x896xf32, #tpu.memory_space<hbm>>
        tpu.enqueue_indirect_dma source(%dma_start3A_106 : memref<100000x896xf32, #tpu.memory_space<hbm>>) target(%arg15 : memref<48x896xf32, #tpu.memory_space<vmem>>) offsets(%arg14 : memref<48xi32, #tpu.memory_space<vmem>>) semaphore(%arg17 : memref<!tpu.dma_semaphore, #tpu.memory_space<semaphore_mem>>)
        %dma_start3A_107 = arith.constant 0 : i32
        %dma_start3A_108 = arith.constant 0 : i32
        %dma_start3A_109 = tpu.memref_slice %arg3[%dma_start3A_107, %dma_start3A_108] : memref<100000x128xf32, #tpu.memory_space<hbm>> -> memref<100000x128xf32, #tpu.memory_space<hbm>>
        tpu.enqueue_indirect_dma source(%dma_start3A_109 : memref<100000x128xf32, #tpu.memory_space<hbm>>) target(%arg16 : memref<48x128xf32, #tpu.memory_space<vmem>>) offsets(%arg14 : memref<48xi32, #tpu.memory_space<vmem>>) semaphore(%arg18 : memref<!tpu.dma_semaphore, #tpu.memory_space<semaphore_mem>>)
      } else {
      }
    }
    %scan3A_21 = arith.constant 20 : i32
    %dma_wait3A = arith.constant 0 : i32
    %dma_wait3A_22 = tpu.memref_slice %arg5[%mul3A_2, %dma_wait3A] : memref<61440x896xf32, #tpu.memory_space<hbm>> -> memref<48x896xf32, #tpu.memory_space<hbm>>
    %dma_wait3A_23 = arith.constant 0 : i32
    %dma_wait3A_24 = tpu.memref_slice %arg5[%mul3A_2, %dma_wait3A_23] : memref<61440x896xf32, #tpu.memory_space<hbm>> -> memref<48x896xf32, #tpu.memory_space<hbm>>
    tpu.wait_dma2 semaphore(%arg12 : memref<!tpu.dma_semaphore, #tpu.memory_space<semaphore_mem>>) src(%arg8 : memref<48x896xf32, #tpu.memory_space<vmem>>) dst(%dma_wait3A_24 : memref<48x896xf32, #tpu.memory_space<hbm>>)
    %dma_wait3A_25 = arith.constant 0 : i32
    %dma_wait3A_26 = tpu.memref_slice %arg6[%mul3A_2, %dma_wait3A_25] : memref<61440x128xf32, #tpu.memory_space<hbm>> -> memref<48x128xf32, #tpu.memory_space<hbm>>
    %dma_wait3A_27 = arith.constant 0 : i32
    %dma_wait3A_28 = tpu.memref_slice %arg6[%mul3A_2, %dma_wait3A_27] : memref<61440x128xf32, #tpu.memory_space<hbm>> -> memref<48x128xf32, #tpu.memory_space<hbm>>
    tpu.wait_dma2 semaphore(%arg13 : memref<!tpu.dma_semaphore, #tpu.memory_space<semaphore_mem>>) src(%arg9 : memref<48x128xf32, #tpu.memory_space<vmem>>) dst(%dma_wait3A_28 : memref<48x128xf32, #tpu.memory_space<hbm>>)
    %dma_wait3A_29 = arith.constant 0 : i32
    %dma_wait3A_30 = tpu.memref_slice %arg5[%mul3A_2, %dma_wait3A_29] : memref<61440x896xf32, #tpu.memory_space<hbm>> -> memref<48x896xf32, #tpu.memory_space<hbm>>
    %dma_wait3A_31 = arith.constant 0 : i32
    %dma_wait3A_32 = tpu.memref_slice %arg5[%mul3A_2, %dma_wait3A_31] : memref<61440x896xf32, #tpu.memory_space<hbm>> -> memref<48x896xf32, #tpu.memory_space<hbm>>
    tpu.wait_dma2 semaphore(%arg19 : memref<!tpu.dma_semaphore, #tpu.memory_space<semaphore_mem>>) src(%arg15 : memref<48x896xf32, #tpu.memory_space<vmem>>) dst(%dma_wait3A_32 : memref<48x896xf32, #tpu.memory_space<hbm>>)
    %dma_wait3A_33 = arith.constant 0 : i32
    %dma_wait3A_34 = tpu.memref_slice %arg6[%mul3A_2, %dma_wait3A_33] : memref<61440x128xf32, #tpu.memory_space<hbm>> -> memref<48x128xf32, #tpu.memory_space<hbm>>
    %dma_wait3A_35 = arith.constant 0 : i32
    %dma_wait3A_36 = tpu.memref_slice %arg6[%mul3A_2, %dma_wait3A_35] : memref<61440x128xf32, #tpu.memory_space<hbm>> -> memref<48x128xf32, #tpu.memory_space<hbm>>
    tpu.wait_dma2 semaphore(%arg20 : memref<!tpu.dma_semaphore, #tpu.memory_space<semaphore_mem>>) src(%arg16 : memref<48x128xf32, #tpu.memory_space<vmem>>) dst(%dma_wait3A_36 : memref<48x128xf32, #tpu.memory_space<hbm>>)
    return
  }
}

module attributes {stable_mosaic.version = 14 : i64} {
  func.func @_epilogue_body(%arg0: i32, %arg1: memref<6x10x64x896xf32, #tpu.memory_space<vmem>>, %arg2: memref<6x10x64x128xf32, #tpu.memory_space<vmem>>, %arg3: memref<64x60xi32, #tpu.memory_space<vmem>>, %arg4: memref<1x896xf32, #tpu.memory_space<vmem>>, %arg5: memref<1x128xf32, #tpu.memory_space<vmem>>, %arg6: memref<10x896x128xf32, #tpu.memory_space<vmem>>, %arg7: memref<10x128x128xf32, #tpu.memory_space<vmem>>, %arg8: memref<1x128xf32, #tpu.memory_space<vmem>>, %arg9: memref<64x128xf32, #tpu.memory_space<vmem>>) attributes {dimension_semantics = [#tpu.dimension_semantics<arbitrary>], iteration_bounds = array<i64: 16>, scalar_prefetch = 0 : i64, scratch_operands = 0 : i64, tpu.core_type = #tpu.core_type<tc>, window_params = [{transform_indices = @transform_0, window_bounds = array<i64: 6, 10, 64, 896>}, {transform_indices = @transform_1, window_bounds = array<i64: 6, 10, 64, 128>}, {transform_indices = @transform_2, window_bounds = array<i64: 64, 60>}, {pipeline_mode = #tpu.pipeline_mode<synchronous>, transform_indices = @transform_3, window_bounds = array<i64: 1, 896>}, {pipeline_mode = #tpu.pipeline_mode<synchronous>, transform_indices = @transform_4, window_bounds = array<i64: 1, 128>}, {pipeline_mode = #tpu.pipeline_mode<synchronous>, transform_indices = @transform_5, window_bounds = array<i64: 10, 896, 128>}, {pipeline_mode = #tpu.pipeline_mode<synchronous>, transform_indices = @transform_6, window_bounds = array<i64: 10, 128, 128>}, {pipeline_mode = #tpu.pipeline_mode<synchronous>, transform_indices = @transform_7, window_bounds = array<i64: 1, 128>}, {transform_indices = @transform_8, window_bounds = array<i64: 64, 128>}]} {
    %get3A = arith.constant 0 : index
    %get3A_0 = arith.constant 0 : index
    %get3A_1 = vector.load %arg3[%get3A, %get3A_0] : memref<64x60xi32, #tpu.memory_space<vmem>>, vector<64x60xi32>
    %ne3A = arith.constant 0 : i32
    %ne3A_2 = vector.broadcast %ne3A : i32 to vector<64x60xi32>
    %ne3A_3 = arith.cmpi ne, %get3A_1, %ne3A_2 : vector<64x60xi32>
    %convert_element_type3A = arith.extui %ne3A_3 : vector<64x60xi1> to vector<64x60xi32>
    %convert_element_type3A_4 = arith.sitofp %convert_element_type3A : vector<64x60xi32> to vector<64x60xf32>
    %get3A_5 = arith.constant 0 : index
    %get3A_6 = arith.constant 0 : index
    %get3A_7 = vector.load %arg4[%get3A_5, %get3A_6] : memref<1x896xf32, #tpu.memory_space<vmem>>, vector<1x896xf32>
    %get3A_8 = arith.constant 0 : index
    %get3A_9 = arith.constant 0 : index
    %get3A_10 = vector.load %arg5[%get3A_8, %get3A_9] : memref<1x128xf32, #tpu.memory_space<vmem>>, vector<1x128xf32>
    %broadcast_in_dim3A = arith.constant 0.000000e+00 : f32
    %broadcast_in_dim3A_11 = vector.broadcast %broadcast_in_dim3A : f32 to vector<64x128xf32>
    %broadcast_in_dim3A_12 = arith.constant 0.000000e+00 : f32
    %broadcast_in_dim3A_13 = vector.broadcast %broadcast_in_dim3A_12 : f32 to vector<64xf32>
    %slice3A = vector.extract_strided_slice %convert_element_type3A_4 {offsets = [0, 0], sizes = [64, 1], strides = [1, 1]} : vector<64x60xf32> to vector<64x1xf32>
    %get3A_14 = arith.constant 0 : index
    %get3A_15 = arith.constant 0 : index
    %get3A_16 = arith.constant 0 : index
    %get3A_17 = arith.constant 0 : index
    %get3A_18 = vector.load %arg1[%get3A_14, %get3A_15, %get3A_16, %get3A_17] : memref<6x10x64x896xf32, #tpu.memory_space<vmem>>, vector<1x1x64x896xf32>
    %get3A_19 = vector.shape_cast %get3A_18 : vector<1x1x64x896xf32> to vector<64x896xf32>
    %mul3A = vector.broadcast %slice3A : vector<64x1xf32> to vector<64x896xf32>
    %mul3A_20 = arith.mulf %get3A_19, %mul3A : vector<64x896xf32>
    %get3A_21 = arith.constant 0 : index
    %get3A_22 = arith.constant 0 : index
    %get3A_23 = arith.constant 0 : index
    %get3A_24 = arith.constant 0 : index
    %get3A_25 = vector.load %arg2[%get3A_21, %get3A_22, %get3A_23, %get3A_24] : memref<6x10x64x128xf32, #tpu.memory_space<vmem>>, vector<1x1x64x128xf32>
    %get3A_26 = vector.shape_cast %get3A_25 : vector<1x1x64x128xf32> to vector<64x128xf32>
    %mul3A_27 = vector.broadcast %slice3A : vector<64x1xf32> to vector<64x128xf32>
    %mul3A_28 = arith.mulf %get3A_26, %mul3A_27 : vector<64x128xf32>
    %slice3A_29 = vector.extract_strided_slice %convert_element_type3A_4 {offsets = [0, 20], sizes = [64, 1], strides = [1, 1]} : vector<64x60xf32> to vector<64x1xf32>
    %get3A_30 = arith.constant 2 : index
    %get3A_31 = arith.constant 0 : index
    %get3A_32 = arith.constant 0 : index
    %get3A_33 = arith.constant 0 : index
    %get3A_34 = vector.load %arg1[%get3A_30, %get3A_31, %get3A_32, %get3A_33] : memref<6x10x64x896xf32, #tpu.memory_space<vmem>>, vector<1x1x64x896xf32>
    %get3A_35 = vector.shape_cast %get3A_34 : vector<1x1x64x896xf32> to vector<64x896xf32>
    %mul3A_36 = vector.broadcast %slice3A_29 : vector<64x1xf32> to vector<64x896xf32>
    %mul3A_37 = arith.mulf %get3A_35, %mul3A_36 : vector<64x896xf32>
    %add3A = arith.addf %mul3A_20, %mul3A_37 : vector<64x896xf32>
    %get3A_38 = arith.constant 2 : index
    %get3A_39 = arith.constant 0 : index
    %get3A_40 = arith.constant 0 : index
    %get3A_41 = arith.constant 0 : index
    %get3A_42 = vector.load %arg2[%get3A_38, %get3A_39, %get3A_40, %get3A_41] : memref<6x10x64x128xf32, #tpu.memory_space<vmem>>, vector<1x1x64x128xf32>
    %get3A_43 = vector.shape_cast %get3A_42 : vector<1x1x64x128xf32> to vector<64x128xf32>
    %mul3A_44 = vector.broadcast %slice3A_29 : vector<64x1xf32> to vector<64x128xf32>
    %mul3A_45 = arith.mulf %get3A_43, %mul3A_44 : vector<64x128xf32>
    %add3A_46 = arith.addf %mul3A_28, %mul3A_45 : vector<64x128xf32>
    %slice3A_47 = vector.extract_strided_slice %convert_element_type3A_4 {offsets = [0, 40], sizes = [64, 1], strides = [1, 1]} : vector<64x60xf32> to vector<64x1xf32>
    %get3A_48 = arith.constant 4 : index
    %get3A_49 = arith.constant 0 : index
    %get3A_50 = arith.constant 0 : index
    %get3A_51 = arith.constant 0 : index
    %get3A_52 = vector.load %arg1[%get3A_48, %get3A_49, %get3A_50, %get3A_51] : memref<6x10x64x896xf32, #tpu.memory_space<vmem>>, vector<1x1x64x896xf32>
    %get3A_53 = vector.shape_cast %get3A_52 : vector<1x1x64x896xf32> to vector<64x896xf32>
    %mul3A_54 = vector.broadcast %slice3A_47 : vector<64x1xf32> to vector<64x896xf32>
    %mul3A_55 = arith.mulf %get3A_53, %mul3A_54 : vector<64x896xf32>
    %add3A_56 = arith.addf %add3A, %mul3A_55 : vector<64x896xf32>
    %get3A_57 = arith.constant 4 : index
    %get3A_58 = arith.constant 0 : index
    %get3A_59 = arith.constant 0 : index
    %get3A_60 = arith.constant 0 : index
    %get3A_61 = vector.load %arg2[%get3A_57, %get3A_58, %get3A_59, %get3A_60] : memref<6x10x64x128xf32, #tpu.memory_space<vmem>>, vector<1x1x64x128xf32>
    %get3A_62 = vector.shape_cast %get3A_61 : vector<1x1x64x128xf32> to vector<64x128xf32>
    %mul3A_63 = vector.broadcast %slice3A_47 : vector<64x1xf32> to vector<64x128xf32>
    %mul3A_64 = arith.mulf %get3A_62, %mul3A_63 : vector<64x128xf32>
    %add3A_65 = arith.addf %add3A_46, %mul3A_64 : vector<64x128xf32>
    %add3A_66 = vector.broadcast %get3A_7 : vector<1x896xf32> to vector<64x896xf32>
    %add3A_67 = arith.addf %add3A_56, %add3A_66 : vector<64x896xf32>
    %max3A = arith.constant 0.000000e+00 : f32
    %max3A_68 = vector.broadcast %max3A : f32 to vector<64x896xf32>
    %max3A_69 = arith.maximumf %add3A_67, %max3A_68 : vector<64x896xf32>
    %add3A_70 = vector.broadcast %get3A_10 : vector<1x128xf32> to vector<64x128xf32>
    %add3A_71 = arith.addf %add3A_65, %add3A_70 : vector<64x128xf32>
    %max3A_72 = arith.constant 0.000000e+00 : f32
    %max3A_73 = vector.broadcast %max3A_72 : f32 to vector<64x128xf32>
    %max3A_74 = arith.maximumf %add3A_71, %max3A_73 : vector<64x128xf32>
    %slice3A_75 = vector.extract_strided_slice %convert_element_type3A_4 {offsets = [0, 10], sizes = [64, 1], strides = [1, 1]} : vector<64x60xf32> to vector<64x1xf32>
    %get3A_76 = arith.constant 1 : index
    %get3A_77 = arith.constant 0 : index
    %get3A_78 = arith.constant 0 : index
    %get3A_79 = arith.constant 0 : index
    %get3A_80 = vector.load %arg1[%get3A_76, %get3A_77, %get3A_78, %get3A_79] : memref<6x10x64x896xf32, #tpu.memory_space<vmem>>, vector<1x1x64x896xf32>
    %get3A_81 = vector.shape_cast %get3A_80 : vector<1x1x64x896xf32> to vector<64x896xf32>
    %mul3A_82 = vector.broadcast %slice3A_75 : vector<64x1xf32> to vector<64x896xf32>
    %mul3A_83 = arith.mulf %get3A_81, %mul3A_82 : vector<64x896xf32>
    %get3A_84 = arith.constant 1 : index
    %get3A_85 = arith.constant 0 : index
    %get3A_86 = arith.constant 0 : index
    %get3A_87 = arith.constant 0 : index
    %get3A_88 = vector.load %arg2[%get3A_84, %get3A_85, %get3A_86, %get3A_87] : memref<6x10x64x128xf32, #tpu.memory_space<vmem>>, vector<1x1x64x128xf32>
    %get3A_89 = vector.shape_cast %get3A_88 : vector<1x1x64x128xf32> to vector<64x128xf32>
    %mul3A_90 = vector.broadcast %slice3A_75 : vector<64x1xf32> to vector<64x128xf32>
    %mul3A_91 = arith.mulf %get3A_89, %mul3A_90 : vector<64x128xf32>
    %slice3A_92 = vector.extract_strided_slice %convert_element_type3A_4 {offsets = [0, 30], sizes = [64, 1], strides = [1, 1]} : vector<64x60xf32> to vector<64x1xf32>
    %get3A_93 = arith.constant 3 : index
    %get3A_94 = arith.constant 0 : index
    %get3A_95 = arith.constant 0 : index
    %get3A_96 = arith.constant 0 : index
    %get3A_97 = vector.load %arg1[%get3A_93, %get3A_94, %get3A_95, %get3A_96] : memref<6x10x64x896xf32, #tpu.memory_space<vmem>>, vector<1x1x64x896xf32>
    %get3A_98 = vector.shape_cast %get3A_97 : vector<1x1x64x896xf32> to vector<64x896xf32>
    %mul3A_99 = vector.broadcast %slice3A_92 : vector<64x1xf32> to vector<64x896xf32>
    %mul3A_100 = arith.mulf %get3A_98, %mul3A_99 : vector<64x896xf32>
    %add3A_101 = arith.addf %mul3A_83, %mul3A_100 : vector<64x896xf32>
    %get3A_102 = arith.constant 3 : index
    %get3A_103 = arith.constant 0 : index
    %get3A_104 = arith.constant 0 : index
    %get3A_105 = arith.constant 0 : index
    %get3A_106 = vector.load %arg2[%get3A_102, %get3A_103, %get3A_104, %get3A_105] : memref<6x10x64x128xf32, #tpu.memory_space<vmem>>, vector<1x1x64x128xf32>
    %get3A_107 = vector.shape_cast %get3A_106 : vector<1x1x64x128xf32> to vector<64x128xf32>
    %mul3A_108 = vector.broadcast %slice3A_92 : vector<64x1xf32> to vector<64x128xf32>
    %mul3A_109 = arith.mulf %get3A_107, %mul3A_108 : vector<64x128xf32>
    %add3A_110 = arith.addf %mul3A_91, %mul3A_109 : vector<64x128xf32>
    %slice3A_111 = vector.extract_strided_slice %convert_element_type3A_4 {offsets = [0, 50], sizes = [64, 1], strides = [1, 1]} : vector<64x60xf32> to vector<64x1xf32>
    %get3A_112 = arith.constant 5 : index
    %get3A_113 = arith.constant 0 : index
    %get3A_114 = arith.constant 0 : index
    %get3A_115 = arith.constant 0 : index
    %get3A_116 = vector.load %arg1[%get3A_112, %get3A_113, %get3A_114, %get3A_115] : memref<6x10x64x896xf32, #tpu.memory_space<vmem>>, vector<1x1x64x896xf32>
    %get3A_117 = vector.shape_cast %get3A_116 : vector<1x1x64x896xf32> to vector<64x896xf32>
    %mul3A_118 = vector.broadcast %slice3A_111 : vector<64x1xf32> to vector<64x896xf32>
    %mul3A_119 = arith.mulf %get3A_117, %mul3A_118 : vector<64x896xf32>
    %add3A_120 = arith.addf %add3A_101, %mul3A_119 : vector<64x896xf32>
    %get3A_121 = arith.constant 5 : index
    %get3A_122 = arith.constant 0 : index
    %get3A_123 = arith.constant 0 : index
    %get3A_124 = arith.constant 0 : index
    %get3A_125 = vector.load %arg2[%get3A_121, %get3A_122, %get3A_123, %get3A_124] : memref<6x10x64x128xf32, #tpu.memory_space<vmem>>, vector<1x1x64x128xf32>
    %get3A_126 = vector.shape_cast %get3A_125 : vector<1x1x64x128xf32> to vector<64x128xf32>
    %mul3A_127 = vector.broadcast %slice3A_111 : vector<64x1xf32> to vector<64x128xf32>
    %mul3A_128 = arith.mulf %get3A_126, %mul3A_127 : vector<64x128xf32>
    %add3A_129 = arith.addf %add3A_110, %mul3A_128 : vector<64x128xf32>
    %add3A_130 = vector.broadcast %get3A_7 : vector<1x896xf32> to vector<64x896xf32>
    %add3A_131 = arith.addf %add3A_120, %add3A_130 : vector<64x896xf32>
    %max3A_132 = arith.constant 0.000000e+00 : f32
    %max3A_133 = vector.broadcast %max3A_132 : f32 to vector<64x896xf32>
    %max3A_134 = arith.maximumf %add3A_131, %max3A_133 : vector<64x896xf32>
    %add3A_135 = vector.broadcast %get3A_10 : vector<1x128xf32> to vector<64x128xf32>
    %add3A_136 = arith.addf %add3A_129, %add3A_135 : vector<64x128xf32>
    %max3A_137 = arith.constant 0.000000e+00 : f32
    %max3A_138 = vector.broadcast %max3A_137 : f32 to vector<64x128xf32>
    %max3A_139 = arith.maximumf %add3A_136, %max3A_138 : vector<64x128xf32>
    %add3A_140 = arith.addf %max3A_69, %max3A_134 : vector<64x896xf32>
    %mul3A_141 = arith.constant 5.000000e-01 : f32
    %mul3A_142 = vector.broadcast %mul3A_141 : f32 to vector<64x896xf32>
    %mul3A_143 = arith.mulf %mul3A_142, %add3A_140 : vector<64x896xf32>
    %add3A_144 = arith.addf %max3A_74, %max3A_139 : vector<64x128xf32>
    %mul3A_145 = arith.constant 5.000000e-01 : f32
    %mul3A_146 = vector.broadcast %mul3A_145 : f32 to vector<64x128xf32>
    %mul3A_147 = arith.mulf %mul3A_146, %add3A_144 : vector<64x128xf32>
    %mul3A_148 = arith.mulf %mul3A_143, %mul3A_143 : vector<64x896xf32>
    %reduce_sum3A = arith.constant dense<0.000000e+00> : vector<64xf32>
    %reduce_sum3A_149 = vector.multi_reduction <add>, %mul3A_148, %reduce_sum3A [1] : vector<64x896xf32> to vector<64xf32>
    %add3A_150 = arith.addf %broadcast_in_dim3A_13, %reduce_sum3A_149 : vector<64xf32>
    %mul3A_151 = arith.mulf %mul3A_147, %mul3A_147 : vector<64x128xf32>
    %reduce_sum3A_152 = arith.constant dense<0.000000e+00> : vector<64xf32>
    %reduce_sum3A_153 = vector.multi_reduction <add>, %mul3A_151, %reduce_sum3A_152 [1] : vector<64x128xf32> to vector<64xf32>
    %add3A_154 = arith.addf %add3A_150, %reduce_sum3A_153 : vector<64xf32>
    %get3A_155 = arith.constant 0 : index
    %get3A_156 = arith.constant 0 : index
    %get3A_157 = arith.constant 0 : index
    %get3A_158 = vector.load %arg6[%get3A_155, %get3A_156, %get3A_157] : memref<10x896x128xf32, #tpu.memory_space<vmem>>, vector<1x896x128xf32>
    %get3A_159 = vector.shape_cast %get3A_158 : vector<1x896x128xf32> to vector<896x128xf32>
    %dot_general3A = arith.constant dense<0.000000e+00> : vector<64x128xf32>
    %dot_general3A_160 = tpu.matmul %mul3A_143, %get3A_159, %dot_general3A {dimension_numbers = #tpu.dot_dimension_numbers<[1], [0], [0], [1], [0, 0, 1, 1], [], []>, transpose_lhs_hint = false} : vector<64x896xf32>, vector<896x128xf32>, vector<64x128xf32> -> vector<64x128xf32>
    %add3A_161 = arith.addf %broadcast_in_dim3A_11, %dot_general3A_160 : vector<64x128xf32>
    %get3A_162 = arith.constant 0 : index
    %get3A_163 = arith.constant 0 : index
    %get3A_164 = arith.constant 0 : index
    %get3A_165 = vector.load %arg7[%get3A_162, %get3A_163, %get3A_164] : memref<10x128x128xf32, #tpu.memory_space<vmem>>, vector<1x128x128xf32>
    %get3A_166 = vector.shape_cast %get3A_165 : vector<1x128x128xf32> to vector<128x128xf32>
    %dot_general3A_167 = arith.constant dense<0.000000e+00> : vector<64x128xf32>
    %dot_general3A_168 = tpu.matmul %mul3A_147, %get3A_166, %dot_general3A_167 {dimension_numbers = #tpu.dot_dimension_numbers<[1], [0], [0], [1], [0, 0, 1, 1], [], []>, transpose_lhs_hint = false} : vector<64x128xf32>, vector<128x128xf32>, vector<64x128xf32> -> vector<64x128xf32>
    %add3A_169 = arith.addf %add3A_161, %dot_general3A_168 : vector<64x128xf32>
    %slice3A_170 = vector.extract_strided_slice %convert_element_type3A_4 {offsets = [0, 1], sizes = [64, 1], strides = [1, 1]} : vector<64x60xf32> to vector<64x1xf32>
    %get3A_171 = arith.constant 0 : index
    %get3A_172 = arith.constant 1 : index
    %get3A_173 = arith.constant 0 : index
    %get3A_174 = arith.constant 0 : index
    %get3A_175 = vector.load %arg1[%get3A_171, %get3A_172, %get3A_173, %get3A_174] : memref<6x10x64x896xf32, #tpu.memory_space<vmem>>, vector<1x1x64x896xf32>
    %get3A_176 = vector.shape_cast %get3A_175 : vector<1x1x64x896xf32> to vector<64x896xf32>
    %mul3A_177 = vector.broadcast %slice3A_170 : vector<64x1xf32> to vector<64x896xf32>
    %mul3A_178 = arith.mulf %get3A_176, %mul3A_177 : vector<64x896xf32>
    %get3A_179 = arith.constant 0 : index
    %get3A_180 = arith.constant 1 : index
    %get3A_181 = arith.constant 0 : index
    %get3A_182 = arith.constant 0 : index
    %get3A_183 = vector.load %arg2[%get3A_179, %get3A_180, %get3A_181, %get3A_182] : memref<6x10x64x128xf32, #tpu.memory_space<vmem>>, vector<1x1x64x128xf32>
    %get3A_184 = vector.shape_cast %get3A_183 : vector<1x1x64x128xf32> to vector<64x128xf32>
    %mul3A_185 = vector.broadcast %slice3A_170 : vector<64x1xf32> to vector<64x128xf32>
    %mul3A_186 = arith.mulf %get3A_184, %mul3A_185 : vector<64x128xf32>
    %slice3A_187 = vector.extract_strided_slice %convert_element_type3A_4 {offsets = [0, 21], sizes = [64, 1], strides = [1, 1]} : vector<64x60xf32> to vector<64x1xf32>
    %get3A_188 = arith.constant 2 : index
    %get3A_189 = arith.constant 1 : index
    %get3A_190 = arith.constant 0 : index
    %get3A_191 = arith.constant 0 : index
    %get3A_192 = vector.load %arg1[%get3A_188, %get3A_189, %get3A_190, %get3A_191] : memref<6x10x64x896xf32, #tpu.memory_space<vmem>>, vector<1x1x64x896xf32>
    %get3A_193 = vector.shape_cast %get3A_192 : vector<1x1x64x896xf32> to vector<64x896xf32>
    %mul3A_194 = vector.broadcast %slice3A_187 : vector<64x1xf32> to vector<64x896xf32>
    %mul3A_195 = arith.mulf %get3A_193, %mul3A_194 : vector<64x896xf32>
    %add3A_196 = arith.addf %mul3A_178, %mul3A_195 : vector<64x896xf32>
    %get3A_197 = arith.constant 2 : index
    %get3A_198 = arith.constant 1 : index
    %get3A_199 = arith.constant 0 : index
    %get3A_200 = arith.constant 0 : index
    %get3A_201 = vector.load %arg2[%get3A_197, %get3A_198, %get3A_199, %get3A_200] : memref<6x10x64x128xf32, #tpu.memory_space<vmem>>, vector<1x1x64x128xf32>
    %get3A_202 = vector.shape_cast %get3A_201 : vector<1x1x64x128xf32> to vector<64x128xf32>
    %mul3A_203 = vector.broadcast %slice3A_187 : vector<64x1xf32> to vector<64x128xf32>
    %mul3A_204 = arith.mulf %get3A_202, %mul3A_203 : vector<64x128xf32>
    %add3A_205 = arith.addf %mul3A_186, %mul3A_204 : vector<64x128xf32>
    %slice3A_206 = vector.extract_strided_slice %convert_element_type3A_4 {offsets = [0, 41], sizes = [64, 1], strides = [1, 1]} : vector<64x60xf32> to vector<64x1xf32>
    %get3A_207 = arith.constant 4 : index
    %get3A_208 = arith.constant 1 : index
    %get3A_209 = arith.constant 0 : index
    %get3A_210 = arith.constant 0 : index
    %get3A_211 = vector.load %arg1[%get3A_207, %get3A_208, %get3A_209, %get3A_210] : memref<6x10x64x896xf32, #tpu.memory_space<vmem>>, vector<1x1x64x896xf32>
    %get3A_212 = vector.shape_cast %get3A_211 : vector<1x1x64x896xf32> to vector<64x896xf32>
    %mul3A_213 = vector.broadcast %slice3A_206 : vector<64x1xf32> to vector<64x896xf32>
    %mul3A_214 = arith.mulf %get3A_212, %mul3A_213 : vector<64x896xf32>
    %add3A_215 = arith.addf %add3A_196, %mul3A_214 : vector<64x896xf32>
    %get3A_216 = arith.constant 4 : index
    %get3A_217 = arith.constant 1 : index
    %get3A_218 = arith.constant 0 : index
    %get3A_219 = arith.constant 0 : index
    %get3A_220 = vector.load %arg2[%get3A_216, %get3A_217, %get3A_218, %get3A_219] : memref<6x10x64x128xf32, #tpu.memory_space<vmem>>, vector<1x1x64x128xf32>
    %get3A_221 = vector.shape_cast %get3A_220 : vector<1x1x64x128xf32> to vector<64x128xf32>
    %mul3A_222 = vector.broadcast %slice3A_206 : vector<64x1xf32> to vector<64x128xf32>
    %mul3A_223 = arith.mulf %get3A_221, %mul3A_222 : vector<64x128xf32>
    %add3A_224 = arith.addf %add3A_205, %mul3A_223 : vector<64x128xf32>
    %add3A_225 = vector.broadcast %get3A_7 : vector<1x896xf32> to vector<64x896xf32>
    %add3A_226 = arith.addf %add3A_215, %add3A_225 : vector<64x896xf32>
    %max3A_227 = arith.constant 0.000000e+00 : f32
    %max3A_228 = vector.broadcast %max3A_227 : f32 to vector<64x896xf32>
    %max3A_229 = arith.maximumf %add3A_226, %max3A_228 : vector<64x896xf32>
    %add3A_230 = vector.broadcast %get3A_10 : vector<1x128xf32> to vector<64x128xf32>
    %add3A_231 = arith.addf %add3A_224, %add3A_230 : vector<64x128xf32>
    %max3A_232 = arith.constant 0.000000e+00 : f32
    %max3A_233 = vector.broadcast %max3A_232 : f32 to vector<64x128xf32>
    %max3A_234 = arith.maximumf %add3A_231, %max3A_233 : vector<64x128xf32>
    %slice3A_235 = vector.extract_strided_slice %convert_element_type3A_4 {offsets = [0, 11], sizes = [64, 1], strides = [1, 1]} : vector<64x60xf32> to vector<64x1xf32>
    %get3A_236 = arith.constant 1 : index
    %get3A_237 = arith.constant 1 : index
    %get3A_238 = arith.constant 0 : index
    %get3A_239 = arith.constant 0 : index
    %get3A_240 = vector.load %arg1[%get3A_236, %get3A_237, %get3A_238, %get3A_239] : memref<6x10x64x896xf32, #tpu.memory_space<vmem>>, vector<1x1x64x896xf32>
    %get3A_241 = vector.shape_cast %get3A_240 : vector<1x1x64x896xf32> to vector<64x896xf32>
    %mul3A_242 = vector.broadcast %slice3A_235 : vector<64x1xf32> to vector<64x896xf32>
    %mul3A_243 = arith.mulf %get3A_241, %mul3A_242 : vector<64x896xf32>
    %get3A_244 = arith.constant 1 : index
    %get3A_245 = arith.constant 1 : index
    %get3A_246 = arith.constant 0 : index
    %get3A_247 = arith.constant 0 : index
    %get3A_248 = vector.load %arg2[%get3A_244, %get3A_245, %get3A_246, %get3A_247] : memref<6x10x64x128xf32, #tpu.memory_space<vmem>>, vector<1x1x64x128xf32>
    %get3A_249 = vector.shape_cast %get3A_248 : vector<1x1x64x128xf32> to vector<64x128xf32>
    %mul3A_250 = vector.broadcast %slice3A_235 : vector<64x1xf32> to vector<64x128xf32>
    %mul3A_251 = arith.mulf %get3A_249, %mul3A_250 : vector<64x128xf32>
    %slice3A_252 = vector.extract_strided_slice %convert_element_type3A_4 {offsets = [0, 31], sizes = [64, 1], strides = [1, 1]} : vector<64x60xf32> to vector<64x1xf32>
    %get3A_253 = arith.constant 3 : index
    %get3A_254 = arith.constant 1 : index
    %get3A_255 = arith.constant 0 : index
    %get3A_256 = arith.constant 0 : index
    %get3A_257 = vector.load %arg1[%get3A_253, %get3A_254, %get3A_255, %get3A_256] : memref<6x10x64x896xf32, #tpu.memory_space<vmem>>, vector<1x1x64x896xf32>
    %get3A_258 = vector.shape_cast %get3A_257 : vector<1x1x64x896xf32> to vector<64x896xf32>
    %mul3A_259 = vector.broadcast %slice3A_252 : vector<64x1xf32> to vector<64x896xf32>
    %mul3A_260 = arith.mulf %get3A_258, %mul3A_259 : vector<64x896xf32>
    %add3A_261 = arith.addf %mul3A_243, %mul3A_260 : vector<64x896xf32>
    %get3A_262 = arith.constant 3 : index
    %get3A_263 = arith.constant 1 : index
    %get3A_264 = arith.constant 0 : index
    %get3A_265 = arith.constant 0 : index
    %get3A_266 = vector.load %arg2[%get3A_262, %get3A_263, %get3A_264, %get3A_265] : memref<6x10x64x128xf32, #tpu.memory_space<vmem>>, vector<1x1x64x128xf32>
    %get3A_267 = vector.shape_cast %get3A_266 : vector<1x1x64x128xf32> to vector<64x128xf32>
    %mul3A_268 = vector.broadcast %slice3A_252 : vector<64x1xf32> to vector<64x128xf32>
    %mul3A_269 = arith.mulf %get3A_267, %mul3A_268 : vector<64x128xf32>
    %add3A_270 = arith.addf %mul3A_251, %mul3A_269 : vector<64x128xf32>
    %slice3A_271 = vector.extract_strided_slice %convert_element_type3A_4 {offsets = [0, 51], sizes = [64, 1], strides = [1, 1]} : vector<64x60xf32> to vector<64x1xf32>
    %get3A_272 = arith.constant 5 : index
    %get3A_273 = arith.constant 1 : index
    %get3A_274 = arith.constant 0 : index
    %get3A_275 = arith.constant 0 : index
    %get3A_276 = vector.load %arg1[%get3A_272, %get3A_273, %get3A_274, %get3A_275] : memref<6x10x64x896xf32, #tpu.memory_space<vmem>>, vector<1x1x64x896xf32>
    %get3A_277 = vector.shape_cast %get3A_276 : vector<1x1x64x896xf32> to vector<64x896xf32>
    %mul3A_278 = vector.broadcast %slice3A_271 : vector<64x1xf32> to vector<64x896xf32>
    %mul3A_279 = arith.mulf %get3A_277, %mul3A_278 : vector<64x896xf32>
    %add3A_280 = arith.addf %add3A_261, %mul3A_279 : vector<64x896xf32>
    %get3A_281 = arith.constant 5 : index
    %get3A_282 = arith.constant 1 : index
    %get3A_283 = arith.constant 0 : index
    %get3A_284 = arith.constant 0 : index
    %get3A_285 = vector.load %arg2[%get3A_281, %get3A_282, %get3A_283, %get3A_284] : memref<6x10x64x128xf32, #tpu.memory_space<vmem>>, vector<1x1x64x128xf32>
    %get3A_286 = vector.shape_cast %get3A_285 : vector<1x1x64x128xf32> to vector<64x128xf32>
    %mul3A_287 = vector.broadcast %slice3A_271 : vector<64x1xf32> to vector<64x128xf32>
    %mul3A_288 = arith.mulf %get3A_286, %mul3A_287 : vector<64x128xf32>
    %add3A_289 = arith.addf %add3A_270, %mul3A_288 : vector<64x128xf32>
    %add3A_290 = vector.broadcast %get3A_7 : vector<1x896xf32> to vector<64x896xf32>
    %add3A_291 = arith.addf %add3A_280, %add3A_290 : vector<64x896xf32>
    %max3A_292 = arith.constant 0.000000e+00 : f32
    %max3A_293 = vector.broadcast %max3A_292 : f32 to vector<64x896xf32>
    %max3A_294 = arith.maximumf %add3A_291, %max3A_293 : vector<64x896xf32>
    %add3A_295 = vector.broadcast %get3A_10 : vector<1x128xf32> to vector<64x128xf32>
    %add3A_296 = arith.addf %add3A_289, %add3A_295 : vector<64x128xf32>
    %max3A_297 = arith.constant 0.000000e+00 : f32
    %max3A_298 = vector.broadcast %max3A_297 : f32 to vector<64x128xf32>
    %max3A_299 = arith.maximumf %add3A_296, %max3A_298 : vector<64x128xf32>
    %add3A_300 = arith.addf %max3A_229, %max3A_294 : vector<64x896xf32>
    %mul3A_301 = arith.constant 5.000000e-01 : f32
    %mul3A_302 = vector.broadcast %mul3A_301 : f32 to vector<64x896xf32>
    %mul3A_303 = arith.mulf %mul3A_302, %add3A_300 : vector<64x896xf32>
    %add3A_304 = arith.addf %max3A_234, %max3A_299 : vector<64x128xf32>
    %mul3A_305 = arith.constant 5.000000e-01 : f32
    %mul3A_306 = vector.broadcast %mul3A_305 : f32 to vector<64x128xf32>
    %mul3A_307 = arith.mulf %mul3A_306, %add3A_304 : vector<64x128xf32>
    %mul3A_308 = arith.mulf %mul3A_303, %mul3A_303 : vector<64x896xf32>
    %reduce_sum3A_309 = arith.constant dense<0.000000e+00> : vector<64xf32>
    %reduce_sum3A_310 = vector.multi_reduction <add>, %mul3A_308, %reduce_sum3A_309 [1] : vector<64x896xf32> to vector<64xf32>
    %add3A_311 = arith.addf %add3A_154, %reduce_sum3A_310 : vector<64xf32>
    %mul3A_312 = arith.mulf %mul3A_307, %mul3A_307 : vector<64x128xf32>
    %reduce_sum3A_313 = arith.constant dense<0.000000e+00> : vector<64xf32>
    %reduce_sum3A_314 = vector.multi_reduction <add>, %mul3A_312, %reduce_sum3A_313 [1] : vector<64x128xf32> to vector<64xf32>
    %add3A_315 = arith.addf %add3A_311, %reduce_sum3A_314 : vector<64xf32>
    %get3A_316 = arith.constant 1 : index
    %get3A_317 = arith.constant 0 : index
    %get3A_318 = arith.constant 0 : index
    %get3A_319 = vector.load %arg6[%get3A_316, %get3A_317, %get3A_318] : memref<10x896x128xf32, #tpu.memory_space<vmem>>, vector<1x896x128xf32>
    %get3A_320 = vector.shape_cast %get3A_319 : vector<1x896x128xf32> to vector<896x128xf32>
    %dot_general3A_321 = arith.constant dense<0.000000e+00> : vector<64x128xf32>
    %dot_general3A_322 = tpu.matmul %mul3A_303, %get3A_320, %dot_general3A_321 {dimension_numbers = #tpu.dot_dimension_numbers<[1], [0], [0], [1], [0, 0, 1, 1], [], []>, transpose_lhs_hint = false} : vector<64x896xf32>, vector<896x128xf32>, vector<64x128xf32> -> vector<64x128xf32>
    %add3A_323 = arith.addf %add3A_169, %dot_general3A_322 : vector<64x128xf32>
    %get3A_324 = arith.constant 1 : index
    %get3A_325 = arith.constant 0 : index
    %get3A_326 = arith.constant 0 : index
    %get3A_327 = vector.load %arg7[%get3A_324, %get3A_325, %get3A_326] : memref<10x128x128xf32, #tpu.memory_space<vmem>>, vector<1x128x128xf32>
    %get3A_328 = vector.shape_cast %get3A_327 : vector<1x128x128xf32> to vector<128x128xf32>
    %dot_general3A_329 = arith.constant dense<0.000000e+00> : vector<64x128xf32>
    %dot_general3A_330 = tpu.matmul %mul3A_307, %get3A_328, %dot_general3A_329 {dimension_numbers = #tpu.dot_dimension_numbers<[1], [0], [0], [1], [0, 0, 1, 1], [], []>, transpose_lhs_hint = false} : vector<64x128xf32>, vector<128x128xf32>, vector<64x128xf32> -> vector<64x128xf32>
    %add3A_331 = arith.addf %add3A_323, %dot_general3A_330 : vector<64x128xf32>
    %slice3A_332 = vector.extract_strided_slice %convert_element_type3A_4 {offsets = [0, 2], sizes = [64, 1], strides = [1, 1]} : vector<64x60xf32> to vector<64x1xf32>
    %get3A_333 = arith.constant 0 : index
    %get3A_334 = arith.constant 2 : index
    %get3A_335 = arith.constant 0 : index
    %get3A_336 = arith.constant 0 : index
    %get3A_337 = vector.load %arg1[%get3A_333, %get3A_334, %get3A_335, %get3A_336] : memref<6x10x64x896xf32, #tpu.memory_space<vmem>>, vector<1x1x64x896xf32>
    %get3A_338 = vector.shape_cast %get3A_337 : vector<1x1x64x896xf32> to vector<64x896xf32>
    %mul3A_339 = vector.broadcast %slice3A_332 : vector<64x1xf32> to vector<64x896xf32>
    %mul3A_340 = arith.mulf %get3A_338, %mul3A_339 : vector<64x896xf32>
    %get3A_341 = arith.constant 0 : index
    %get3A_342 = arith.constant 2 : index
    %get3A_343 = arith.constant 0 : index
    %get3A_344 = arith.constant 0 : index
    %get3A_345 = vector.load %arg2[%get3A_341, %get3A_342, %get3A_343, %get3A_344] : memref<6x10x64x128xf32, #tpu.memory_space<vmem>>, vector<1x1x64x128xf32>
    %get3A_346 = vector.shape_cast %get3A_345 : vector<1x1x64x128xf32> to vector<64x128xf32>
    %mul3A_347 = vector.broadcast %slice3A_332 : vector<64x1xf32> to vector<64x128xf32>
    %mul3A_348 = arith.mulf %get3A_346, %mul3A_347 : vector<64x128xf32>
    %slice3A_349 = vector.extract_strided_slice %convert_element_type3A_4 {offsets = [0, 22], sizes = [64, 1], strides = [1, 1]} : vector<64x60xf32> to vector<64x1xf32>
    %get3A_350 = arith.constant 2 : index
    %get3A_351 = arith.constant 2 : index
    %get3A_352 = arith.constant 0 : index
    %get3A_353 = arith.constant 0 : index
    %get3A_354 = vector.load %arg1[%get3A_350, %get3A_351, %get3A_352, %get3A_353] : memref<6x10x64x896xf32, #tpu.memory_space<vmem>>, vector<1x1x64x896xf32>
    %get3A_355 = vector.shape_cast %get3A_354 : vector<1x1x64x896xf32> to vector<64x896xf32>
    %mul3A_356 = vector.broadcast %slice3A_349 : vector<64x1xf32> to vector<64x896xf32>
    %mul3A_357 = arith.mulf %get3A_355, %mul3A_356 : vector<64x896xf32>
    %add3A_358 = arith.addf %mul3A_340, %mul3A_357 : vector<64x896xf32>
    %get3A_359 = arith.constant 2 : index
    %get3A_360 = arith.constant 2 : index
    %get3A_361 = arith.constant 0 : index
    %get3A_362 = arith.constant 0 : index
    %get3A_363 = vector.load %arg2[%get3A_359, %get3A_360, %get3A_361, %get3A_362] : memref<6x10x64x128xf32, #tpu.memory_space<vmem>>, vector<1x1x64x128xf32>
    %get3A_364 = vector.shape_cast %get3A_363 : vector<1x1x64x128xf32> to vector<64x128xf32>
    %mul3A_365 = vector.broadcast %slice3A_349 : vector<64x1xf32> to vector<64x128xf32>
    %mul3A_366 = arith.mulf %get3A_364, %mul3A_365 : vector<64x128xf32>
    %add3A_367 = arith.addf %mul3A_348, %mul3A_366 : vector<64x128xf32>
    %slice3A_368 = vector.extract_strided_slice %convert_element_type3A_4 {offsets = [0, 42], sizes = [64, 1], strides = [1, 1]} : vector<64x60xf32> to vector<64x1xf32>
    %get3A_369 = arith.constant 4 : index
    %get3A_370 = arith.constant 2 : index
    %get3A_371 = arith.constant 0 : index
    %get3A_372 = arith.constant 0 : index
    %get3A_373 = vector.load %arg1[%get3A_369, %get3A_370, %get3A_371, %get3A_372] : memref<6x10x64x896xf32, #tpu.memory_space<vmem>>, vector<1x1x64x896xf32>
    %get3A_374 = vector.shape_cast %get3A_373 : vector<1x1x64x896xf32> to vector<64x896xf32>
    %mul3A_375 = vector.broadcast %slice3A_368 : vector<64x1xf32> to vector<64x896xf32>
    %mul3A_376 = arith.mulf %get3A_374, %mul3A_375 : vector<64x896xf32>
    %add3A_377 = arith.addf %add3A_358, %mul3A_376 : vector<64x896xf32>
    %get3A_378 = arith.constant 4 : index
    %get3A_379 = arith.constant 2 : index
    %get3A_380 = arith.constant 0 : index
    %get3A_381 = arith.constant 0 : index
    %get3A_382 = vector.load %arg2[%get3A_378, %get3A_379, %get3A_380, %get3A_381] : memref<6x10x64x128xf32, #tpu.memory_space<vmem>>, vector<1x1x64x128xf32>
    %get3A_383 = vector.shape_cast %get3A_382 : vector<1x1x64x128xf32> to vector<64x128xf32>
    %mul3A_384 = vector.broadcast %slice3A_368 : vector<64x1xf32> to vector<64x128xf32>
    %mul3A_385 = arith.mulf %get3A_383, %mul3A_384 : vector<64x128xf32>
    %add3A_386 = arith.addf %add3A_367, %mul3A_385 : vector<64x128xf32>
    %add3A_387 = vector.broadcast %get3A_7 : vector<1x896xf32> to vector<64x896xf32>
    %add3A_388 = arith.addf %add3A_377, %add3A_387 : vector<64x896xf32>
    %max3A_389 = arith.constant 0.000000e+00 : f32
    %max3A_390 = vector.broadcast %max3A_389 : f32 to vector<64x896xf32>
    %max3A_391 = arith.maximumf %add3A_388, %max3A_390 : vector<64x896xf32>
    %add3A_392 = vector.broadcast %get3A_10 : vector<1x128xf32> to vector<64x128xf32>
    %add3A_393 = arith.addf %add3A_386, %add3A_392 : vector<64x128xf32>
    %max3A_394 = arith.constant 0.000000e+00 : f32
    %max3A_395 = vector.broadcast %max3A_394 : f32 to vector<64x128xf32>
    %max3A_396 = arith.maximumf %add3A_393, %max3A_395 : vector<64x128xf32>
    %slice3A_397 = vector.extract_strided_slice %convert_element_type3A_4 {offsets = [0, 12], sizes = [64, 1], strides = [1, 1]} : vector<64x60xf32> to vector<64x1xf32>
    %get3A_398 = arith.constant 1 : index
    %get3A_399 = arith.constant 2 : index
    %get3A_400 = arith.constant 0 : index
    %get3A_401 = arith.constant 0 : index
    %get3A_402 = vector.load %arg1[%get3A_398, %get3A_399, %get3A_400, %get3A_401] : memref<6x10x64x896xf32, #tpu.memory_space<vmem>>, vector<1x1x64x896xf32>
    %get3A_403 = vector.shape_cast %get3A_402 : vector<1x1x64x896xf32> to vector<64x896xf32>
    %mul3A_404 = vector.broadcast %slice3A_397 : vector<64x1xf32> to vector<64x896xf32>
    %mul3A_405 = arith.mulf %get3A_403, %mul3A_404 : vector<64x896xf32>
    %get3A_406 = arith.constant 1 : index
    %get3A_407 = arith.constant 2 : index
    %get3A_408 = arith.constant 0 : index
    %get3A_409 = arith.constant 0 : index
    %get3A_410 = vector.load %arg2[%get3A_406, %get3A_407, %get3A_408, %get3A_409] : memref<6x10x64x128xf32, #tpu.memory_space<vmem>>, vector<1x1x64x128xf32>
    %get3A_411 = vector.shape_cast %get3A_410 : vector<1x1x64x128xf32> to vector<64x128xf32>
    %mul3A_412 = vector.broadcast %slice3A_397 : vector<64x1xf32> to vector<64x128xf32>
    %mul3A_413 = arith.mulf %get3A_411, %mul3A_412 : vector<64x128xf32>
    %slice3A_414 = vector.extract_strided_slice %convert_element_type3A_4 {offsets = [0, 32], sizes = [64, 1], strides = [1, 1]} : vector<64x60xf32> to vector<64x1xf32>
    %get3A_415 = arith.constant 3 : index
    %get3A_416 = arith.constant 2 : index
    %get3A_417 = arith.constant 0 : index
    %get3A_418 = arith.constant 0 : index
    %get3A_419 = vector.load %arg1[%get3A_415, %get3A_416, %get3A_417, %get3A_418] : memref<6x10x64x896xf32, #tpu.memory_space<vmem>>, vector<1x1x64x896xf32>
    %get3A_420 = vector.shape_cast %get3A_419 : vector<1x1x64x896xf32> to vector<64x896xf32>
    %mul3A_421 = vector.broadcast %slice3A_414 : vector<64x1xf32> to vector<64x896xf32>
    %mul3A_422 = arith.mulf %get3A_420, %mul3A_421 : vector<64x896xf32>
    %add3A_423 = arith.addf %mul3A_405, %mul3A_422 : vector<64x896xf32>
    %get3A_424 = arith.constant 3 : index
    %get3A_425 = arith.constant 2 : index
    %get3A_426 = arith.constant 0 : index
    %get3A_427 = arith.constant 0 : index
    %get3A_428 = vector.load %arg2[%get3A_424, %get3A_425, %get3A_426, %get3A_427] : memref<6x10x64x128xf32, #tpu.memory_space<vmem>>, vector<1x1x64x128xf32>
    %get3A_429 = vector.shape_cast %get3A_428 : vector<1x1x64x128xf32> to vector<64x128xf32>
    %mul3A_430 = vector.broadcast %slice3A_414 : vector<64x1xf32> to vector<64x128xf32>
    %mul3A_431 = arith.mulf %get3A_429, %mul3A_430 : vector<64x128xf32>
    %add3A_432 = arith.addf %mul3A_413, %mul3A_431 : vector<64x128xf32>
    %slice3A_433 = vector.extract_strided_slice %convert_element_type3A_4 {offsets = [0, 52], sizes = [64, 1], strides = [1, 1]} : vector<64x60xf32> to vector<64x1xf32>
    %get3A_434 = arith.constant 5 : index
    %get3A_435 = arith.constant 2 : index
    %get3A_436 = arith.constant 0 : index
    %get3A_437 = arith.constant 0 : index
    %get3A_438 = vector.load %arg1[%get3A_434, %get3A_435, %get3A_436, %get3A_437] : memref<6x10x64x896xf32, #tpu.memory_space<vmem>>, vector<1x1x64x896xf32>
    %get3A_439 = vector.shape_cast %get3A_438 : vector<1x1x64x896xf32> to vector<64x896xf32>
    %mul3A_440 = vector.broadcast %slice3A_433 : vector<64x1xf32> to vector<64x896xf32>
    %mul3A_441 = arith.mulf %get3A_439, %mul3A_440 : vector<64x896xf32>
    %add3A_442 = arith.addf %add3A_423, %mul3A_441 : vector<64x896xf32>
    %get3A_443 = arith.constant 5 : index
    %get3A_444 = arith.constant 2 : index
    %get3A_445 = arith.constant 0 : index
    %get3A_446 = arith.constant 0 : index
    %get3A_447 = vector.load %arg2[%get3A_443, %get3A_444, %get3A_445, %get3A_446] : memref<6x10x64x128xf32, #tpu.memory_space<vmem>>, vector<1x1x64x128xf32>
    %get3A_448 = vector.shape_cast %get3A_447 : vector<1x1x64x128xf32> to vector<64x128xf32>
    %mul3A_449 = vector.broadcast %slice3A_433 : vector<64x1xf32> to vector<64x128xf32>
    %mul3A_450 = arith.mulf %get3A_448, %mul3A_449 : vector<64x128xf32>
    %add3A_451 = arith.addf %add3A_432, %mul3A_450 : vector<64x128xf32>
    %add3A_452 = vector.broadcast %get3A_7 : vector<1x896xf32> to vector<64x896xf32>
    %add3A_453 = arith.addf %add3A_442, %add3A_452 : vector<64x896xf32>
    %max3A_454 = arith.constant 0.000000e+00 : f32
    %max3A_455 = vector.broadcast %max3A_454 : f32 to vector<64x896xf32>
    %max3A_456 = arith.maximumf %add3A_453, %max3A_455 : vector<64x896xf32>
    %add3A_457 = vector.broadcast %get3A_10 : vector<1x128xf32> to vector<64x128xf32>
    %add3A_458 = arith.addf %add3A_451, %add3A_457 : vector<64x128xf32>
    %max3A_459 = arith.constant 0.000000e+00 : f32
    %max3A_460 = vector.broadcast %max3A_459 : f32 to vector<64x128xf32>
    %max3A_461 = arith.maximumf %add3A_458, %max3A_460 : vector<64x128xf32>
    %add3A_462 = arith.addf %max3A_391, %max3A_456 : vector<64x896xf32>
    %mul3A_463 = arith.constant 5.000000e-01 : f32
    %mul3A_464 = vector.broadcast %mul3A_463 : f32 to vector<64x896xf32>
    %mul3A_465 = arith.mulf %mul3A_464, %add3A_462 : vector<64x896xf32>
    %add3A_466 = arith.addf %max3A_396, %max3A_461 : vector<64x128xf32>
    %mul3A_467 = arith.constant 5.000000e-01 : f32
    %mul3A_468 = vector.broadcast %mul3A_467 : f32 to vector<64x128xf32>
    %mul3A_469 = arith.mulf %mul3A_468, %add3A_466 : vector<64x128xf32>
    %mul3A_470 = arith.mulf %mul3A_465, %mul3A_465 : vector<64x896xf32>
    %reduce_sum3A_471 = arith.constant dense<0.000000e+00> : vector<64xf32>
    %reduce_sum3A_472 = vector.multi_reduction <add>, %mul3A_470, %reduce_sum3A_471 [1] : vector<64x896xf32> to vector<64xf32>
    %add3A_473 = arith.addf %add3A_315, %reduce_sum3A_472 : vector<64xf32>
    %mul3A_474 = arith.mulf %mul3A_469, %mul3A_469 : vector<64x128xf32>
    %reduce_sum3A_475 = arith.constant dense<0.000000e+00> : vector<64xf32>
    %reduce_sum3A_476 = vector.multi_reduction <add>, %mul3A_474, %reduce_sum3A_475 [1] : vector<64x128xf32> to vector<64xf32>
    %add3A_477 = arith.addf %add3A_473, %reduce_sum3A_476 : vector<64xf32>
    %get3A_478 = arith.constant 2 : index
    %get3A_479 = arith.constant 0 : index
    %get3A_480 = arith.constant 0 : index
    %get3A_481 = vector.load %arg6[%get3A_478, %get3A_479, %get3A_480] : memref<10x896x128xf32, #tpu.memory_space<vmem>>, vector<1x896x128xf32>
    %get3A_482 = vector.shape_cast %get3A_481 : vector<1x896x128xf32> to vector<896x128xf32>
    %dot_general3A_483 = arith.constant dense<0.000000e+00> : vector<64x128xf32>
    %dot_general3A_484 = tpu.matmul %mul3A_465, %get3A_482, %dot_general3A_483 {dimension_numbers = #tpu.dot_dimension_numbers<[1], [0], [0], [1], [0, 0, 1, 1], [], []>, transpose_lhs_hint = false} : vector<64x896xf32>, vector<896x128xf32>, vector<64x128xf32> -> vector<64x128xf32>
    %add3A_485 = arith.addf %add3A_331, %dot_general3A_484 : vector<64x128xf32>
    %get3A_486 = arith.constant 2 : index
    %get3A_487 = arith.constant 0 : index
    %get3A_488 = arith.constant 0 : index
    %get3A_489 = vector.load %arg7[%get3A_486, %get3A_487, %get3A_488] : memref<10x128x128xf32, #tpu.memory_space<vmem>>, vector<1x128x128xf32>
    %get3A_490 = vector.shape_cast %get3A_489 : vector<1x128x128xf32> to vector<128x128xf32>
    %dot_general3A_491 = arith.constant dense<0.000000e+00> : vector<64x128xf32>
    %dot_general3A_492 = tpu.matmul %mul3A_469, %get3A_490, %dot_general3A_491 {dimension_numbers = #tpu.dot_dimension_numbers<[1], [0], [0], [1], [0, 0, 1, 1], [], []>, transpose_lhs_hint = false} : vector<64x128xf32>, vector<128x128xf32>, vector<64x128xf32> -> vector<64x128xf32>
    %add3A_493 = arith.addf %add3A_485, %dot_general3A_492 : vector<64x128xf32>
    %slice3A_494 = vector.extract_strided_slice %convert_element_type3A_4 {offsets = [0, 3], sizes = [64, 1], strides = [1, 1]} : vector<64x60xf32> to vector<64x1xf32>
    %get3A_495 = arith.constant 0 : index
    %get3A_496 = arith.constant 3 : index
    %get3A_497 = arith.constant 0 : index
    %get3A_498 = arith.constant 0 : index
    %get3A_499 = vector.load %arg1[%get3A_495, %get3A_496, %get3A_497, %get3A_498] : memref<6x10x64x896xf32, #tpu.memory_space<vmem>>, vector<1x1x64x896xf32>
    %get3A_500 = vector.shape_cast %get3A_499 : vector<1x1x64x896xf32> to vector<64x896xf32>
    %mul3A_501 = vector.broadcast %slice3A_494 : vector<64x1xf32> to vector<64x896xf32>
    %mul3A_502 = arith.mulf %get3A_500, %mul3A_501 : vector<64x896xf32>
    %get3A_503 = arith.constant 0 : index
    %get3A_504 = arith.constant 3 : index
    %get3A_505 = arith.constant 0 : index
    %get3A_506 = arith.constant 0 : index
    %get3A_507 = vector.load %arg2[%get3A_503, %get3A_504, %get3A_505, %get3A_506] : memref<6x10x64x128xf32, #tpu.memory_space<vmem>>, vector<1x1x64x128xf32>
    %get3A_508 = vector.shape_cast %get3A_507 : vector<1x1x64x128xf32> to vector<64x128xf32>
    %mul3A_509 = vector.broadcast %slice3A_494 : vector<64x1xf32> to vector<64x128xf32>
    %mul3A_510 = arith.mulf %get3A_508, %mul3A_509 : vector<64x128xf32>
    %slice3A_511 = vector.extract_strided_slice %convert_element_type3A_4 {offsets = [0, 23], sizes = [64, 1], strides = [1, 1]} : vector<64x60xf32> to vector<64x1xf32>
    %get3A_512 = arith.constant 2 : index
    %get3A_513 = arith.constant 3 : index
    %get3A_514 = arith.constant 0 : index
    %get3A_515 = arith.constant 0 : index
    %get3A_516 = vector.load %arg1[%get3A_512, %get3A_513, %get3A_514, %get3A_515] : memref<6x10x64x896xf32, #tpu.memory_space<vmem>>, vector<1x1x64x896xf32>
    %get3A_517 = vector.shape_cast %get3A_516 : vector<1x1x64x896xf32> to vector<64x896xf32>
    %mul3A_518 = vector.broadcast %slice3A_511 : vector<64x1xf32> to vector<64x896xf32>
    %mul3A_519 = arith.mulf %get3A_517, %mul3A_518 : vector<64x896xf32>
    %add3A_520 = arith.addf %mul3A_502, %mul3A_519 : vector<64x896xf32>
    %get3A_521 = arith.constant 2 : index
    %get3A_522 = arith.constant 3 : index
    %get3A_523 = arith.constant 0 : index
    %get3A_524 = arith.constant 0 : index
    %get3A_525 = vector.load %arg2[%get3A_521, %get3A_522, %get3A_523, %get3A_524] : memref<6x10x64x128xf32, #tpu.memory_space<vmem>>, vector<1x1x64x128xf32>
    %get3A_526 = vector.shape_cast %get3A_525 : vector<1x1x64x128xf32> to vector<64x128xf32>
    %mul3A_527 = vector.broadcast %slice3A_511 : vector<64x1xf32> to vector<64x128xf32>
    %mul3A_528 = arith.mulf %get3A_526, %mul3A_527 : vector<64x128xf32>
    %add3A_529 = arith.addf %mul3A_510, %mul3A_528 : vector<64x128xf32>
    %slice3A_530 = vector.extract_strided_slice %convert_element_type3A_4 {offsets = [0, 43], sizes = [64, 1], strides = [1, 1]} : vector<64x60xf32> to vector<64x1xf32>
    %get3A_531 = arith.constant 4 : index
    %get3A_532 = arith.constant 3 : index
    %get3A_533 = arith.constant 0 : index
    %get3A_534 = arith.constant 0 : index
    %get3A_535 = vector.load %arg1[%get3A_531, %get3A_532, %get3A_533, %get3A_534] : memref<6x10x64x896xf32, #tpu.memory_space<vmem>>, vector<1x1x64x896xf32>
    %get3A_536 = vector.shape_cast %get3A_535 : vector<1x1x64x896xf32> to vector<64x896xf32>
    %mul3A_537 = vector.broadcast %slice3A_530 : vector<64x1xf32> to vector<64x896xf32>
    %mul3A_538 = arith.mulf %get3A_536, %mul3A_537 : vector<64x896xf32>
    %add3A_539 = arith.addf %add3A_520, %mul3A_538 : vector<64x896xf32>
    %get3A_540 = arith.constant 4 : index
    %get3A_541 = arith.constant 3 : index
    %get3A_542 = arith.constant 0 : index
    %get3A_543 = arith.constant 0 : index
    %get3A_544 = vector.load %arg2[%get3A_540, %get3A_541, %get3A_542, %get3A_543] : memref<6x10x64x128xf32, #tpu.memory_space<vmem>>, vector<1x1x64x128xf32>
    %get3A_545 = vector.shape_cast %get3A_544 : vector<1x1x64x128xf32> to vector<64x128xf32>
    %mul3A_546 = vector.broadcast %slice3A_530 : vector<64x1xf32> to vector<64x128xf32>
    %mul3A_547 = arith.mulf %get3A_545, %mul3A_546 : vector<64x128xf32>
    %add3A_548 = arith.addf %add3A_529, %mul3A_547 : vector<64x128xf32>
    %add3A_549 = vector.broadcast %get3A_7 : vector<1x896xf32> to vector<64x896xf32>
    %add3A_550 = arith.addf %add3A_539, %add3A_549 : vector<64x896xf32>
    %max3A_551 = arith.constant 0.000000e+00 : f32
    %max3A_552 = vector.broadcast %max3A_551 : f32 to vector<64x896xf32>
    %max3A_553 = arith.maximumf %add3A_550, %max3A_552 : vector<64x896xf32>
    %add3A_554 = vector.broadcast %get3A_10 : vector<1x128xf32> to vector<64x128xf32>
    %add3A_555 = arith.addf %add3A_548, %add3A_554 : vector<64x128xf32>
    %max3A_556 = arith.constant 0.000000e+00 : f32
    %max3A_557 = vector.broadcast %max3A_556 : f32 to vector<64x128xf32>
    %max3A_558 = arith.maximumf %add3A_555, %max3A_557 : vector<64x128xf32>
    %slice3A_559 = vector.extract_strided_slice %convert_element_type3A_4 {offsets = [0, 13], sizes = [64, 1], strides = [1, 1]} : vector<64x60xf32> to vector<64x1xf32>
    %get3A_560 = arith.constant 1 : index
    %get3A_561 = arith.constant 3 : index
    %get3A_562 = arith.constant 0 : index
    %get3A_563 = arith.constant 0 : index
    %get3A_564 = vector.load %arg1[%get3A_560, %get3A_561, %get3A_562, %get3A_563] : memref<6x10x64x896xf32, #tpu.memory_space<vmem>>, vector<1x1x64x896xf32>
    %get3A_565 = vector.shape_cast %get3A_564 : vector<1x1x64x896xf32> to vector<64x896xf32>
    %mul3A_566 = vector.broadcast %slice3A_559 : vector<64x1xf32> to vector<64x896xf32>
    %mul3A_567 = arith.mulf %get3A_565, %mul3A_566 : vector<64x896xf32>
    %get3A_568 = arith.constant 1 : index
    %get3A_569 = arith.constant 3 : index
    %get3A_570 = arith.constant 0 : index
    %get3A_571 = arith.constant 0 : index
    %get3A_572 = vector.load %arg2[%get3A_568, %get3A_569, %get3A_570, %get3A_571] : memref<6x10x64x128xf32, #tpu.memory_space<vmem>>, vector<1x1x64x128xf32>
    %get3A_573 = vector.shape_cast %get3A_572 : vector<1x1x64x128xf32> to vector<64x128xf32>
    %mul3A_574 = vector.broadcast %slice3A_559 : vector<64x1xf32> to vector<64x128xf32>
    %mul3A_575 = arith.mulf %get3A_573, %mul3A_574 : vector<64x128xf32>
    %slice3A_576 = vector.extract_strided_slice %convert_element_type3A_4 {offsets = [0, 33], sizes = [64, 1], strides = [1, 1]} : vector<64x60xf32> to vector<64x1xf32>
    %get3A_577 = arith.constant 3 : index
    %get3A_578 = arith.constant 3 : index
    %get3A_579 = arith.constant 0 : index
    %get3A_580 = arith.constant 0 : index
    %get3A_581 = vector.load %arg1[%get3A_577, %get3A_578, %get3A_579, %get3A_580] : memref<6x10x64x896xf32, #tpu.memory_space<vmem>>, vector<1x1x64x896xf32>
    %get3A_582 = vector.shape_cast %get3A_581 : vector<1x1x64x896xf32> to vector<64x896xf32>
    %mul3A_583 = vector.broadcast %slice3A_576 : vector<64x1xf32> to vector<64x896xf32>
    %mul3A_584 = arith.mulf %get3A_582, %mul3A_583 : vector<64x896xf32>
    %add3A_585 = arith.addf %mul3A_567, %mul3A_584 : vector<64x896xf32>
    %get3A_586 = arith.constant 3 : index
    %get3A_587 = arith.constant 3 : index
    %get3A_588 = arith.constant 0 : index
    %get3A_589 = arith.constant 0 : index
    %get3A_590 = vector.load %arg2[%get3A_586, %get3A_587, %get3A_588, %get3A_589] : memref<6x10x64x128xf32, #tpu.memory_space<vmem>>, vector<1x1x64x128xf32>
    %get3A_591 = vector.shape_cast %get3A_590 : vector<1x1x64x128xf32> to vector<64x128xf32>
    %mul3A_592 = vector.broadcast %slice3A_576 : vector<64x1xf32> to vector<64x128xf32>
    %mul3A_593 = arith.mulf %get3A_591, %mul3A_592 : vector<64x128xf32>
    %add3A_594 = arith.addf %mul3A_575, %mul3A_593 : vector<64x128xf32>
    %slice3A_595 = vector.extract_strided_slice %convert_element_type3A_4 {offsets = [0, 53], sizes = [64, 1], strides = [1, 1]} : vector<64x60xf32> to vector<64x1xf32>
    %get3A_596 = arith.constant 5 : index
    %get3A_597 = arith.constant 3 : index
    %get3A_598 = arith.constant 0 : index
    %get3A_599 = arith.constant 0 : index
    %get3A_600 = vector.load %arg1[%get3A_596, %get3A_597, %get3A_598, %get3A_599] : memref<6x10x64x896xf32, #tpu.memory_space<vmem>>, vector<1x1x64x896xf32>
    %get3A_601 = vector.shape_cast %get3A_600 : vector<1x1x64x896xf32> to vector<64x896xf32>
    %mul3A_602 = vector.broadcast %slice3A_595 : vector<64x1xf32> to vector<64x896xf32>
    %mul3A_603 = arith.mulf %get3A_601, %mul3A_602 : vector<64x896xf32>
    %add3A_604 = arith.addf %add3A_585, %mul3A_603 : vector<64x896xf32>
    %get3A_605 = arith.constant 5 : index
    %get3A_606 = arith.constant 3 : index
    %get3A_607 = arith.constant 0 : index
    %get3A_608 = arith.constant 0 : index
    %get3A_609 = vector.load %arg2[%get3A_605, %get3A_606, %get3A_607, %get3A_608] : memref<6x10x64x128xf32, #tpu.memory_space<vmem>>, vector<1x1x64x128xf32>
    %get3A_610 = vector.shape_cast %get3A_609 : vector<1x1x64x128xf32> to vector<64x128xf32>
    %mul3A_611 = vector.broadcast %slice3A_595 : vector<64x1xf32> to vector<64x128xf32>
    %mul3A_612 = arith.mulf %get3A_610, %mul3A_611 : vector<64x128xf32>
    %add3A_613 = arith.addf %add3A_594, %mul3A_612 : vector<64x128xf32>
    %add3A_614 = vector.broadcast %get3A_7 : vector<1x896xf32> to vector<64x896xf32>
    %add3A_615 = arith.addf %add3A_604, %add3A_614 : vector<64x896xf32>
    %max3A_616 = arith.constant 0.000000e+00 : f32
    %max3A_617 = vector.broadcast %max3A_616 : f32 to vector<64x896xf32>
    %max3A_618 = arith.maximumf %add3A_615, %max3A_617 : vector<64x896xf32>
    %add3A_619 = vector.broadcast %get3A_10 : vector<1x128xf32> to vector<64x128xf32>
    %add3A_620 = arith.addf %add3A_613, %add3A_619 : vector<64x128xf32>
    %max3A_621 = arith.constant 0.000000e+00 : f32
    %max3A_622 = vector.broadcast %max3A_621 : f32 to vector<64x128xf32>
    %max3A_623 = arith.maximumf %add3A_620, %max3A_622 : vector<64x128xf32>
    %add3A_624 = arith.addf %max3A_553, %max3A_618 : vector<64x896xf32>
    %mul3A_625 = arith.constant 5.000000e-01 : f32
    %mul3A_626 = vector.broadcast %mul3A_625 : f32 to vector<64x896xf32>
    %mul3A_627 = arith.mulf %mul3A_626, %add3A_624 : vector<64x896xf32>
    %add3A_628 = arith.addf %max3A_558, %max3A_623 : vector<64x128xf32>
    %mul3A_629 = arith.constant 5.000000e-01 : f32
    %mul3A_630 = vector.broadcast %mul3A_629 : f32 to vector<64x128xf32>
    %mul3A_631 = arith.mulf %mul3A_630, %add3A_628 : vector<64x128xf32>
    %mul3A_632 = arith.mulf %mul3A_627, %mul3A_627 : vector<64x896xf32>
    %reduce_sum3A_633 = arith.constant dense<0.000000e+00> : vector<64xf32>
    %reduce_sum3A_634 = vector.multi_reduction <add>, %mul3A_632, %reduce_sum3A_633 [1] : vector<64x896xf32> to vector<64xf32>
    %add3A_635 = arith.addf %add3A_477, %reduce_sum3A_634 : vector<64xf32>
    %mul3A_636 = arith.mulf %mul3A_631, %mul3A_631 : vector<64x128xf32>
    %reduce_sum3A_637 = arith.constant dense<0.000000e+00> : vector<64xf32>
    %reduce_sum3A_638 = vector.multi_reduction <add>, %mul3A_636, %reduce_sum3A_637 [1] : vector<64x128xf32> to vector<64xf32>
    %add3A_639 = arith.addf %add3A_635, %reduce_sum3A_638 : vector<64xf32>
    %get3A_640 = arith.constant 3 : index
    %get3A_641 = arith.constant 0 : index
    %get3A_642 = arith.constant 0 : index
    %get3A_643 = vector.load %arg6[%get3A_640, %get3A_641, %get3A_642] : memref<10x896x128xf32, #tpu.memory_space<vmem>>, vector<1x896x128xf32>
    %get3A_644 = vector.shape_cast %get3A_643 : vector<1x896x128xf32> to vector<896x128xf32>
    %dot_general3A_645 = arith.constant dense<0.000000e+00> : vector<64x128xf32>
    %dot_general3A_646 = tpu.matmul %mul3A_627, %get3A_644, %dot_general3A_645 {dimension_numbers = #tpu.dot_dimension_numbers<[1], [0], [0], [1], [0, 0, 1, 1], [], []>, transpose_lhs_hint = false} : vector<64x896xf32>, vector<896x128xf32>, vector<64x128xf32> -> vector<64x128xf32>
    %add3A_647 = arith.addf %add3A_493, %dot_general3A_646 : vector<64x128xf32>
    %get3A_648 = arith.constant 3 : index
    %get3A_649 = arith.constant 0 : index
    %get3A_650 = arith.constant 0 : index
    %get3A_651 = vector.load %arg7[%get3A_648, %get3A_649, %get3A_650] : memref<10x128x128xf32, #tpu.memory_space<vmem>>, vector<1x128x128xf32>
    %get3A_652 = vector.shape_cast %get3A_651 : vector<1x128x128xf32> to vector<128x128xf32>
    %dot_general3A_653 = arith.constant dense<0.000000e+00> : vector<64x128xf32>
    %dot_general3A_654 = tpu.matmul %mul3A_631, %get3A_652, %dot_general3A_653 {dimension_numbers = #tpu.dot_dimension_numbers<[1], [0], [0], [1], [0, 0, 1, 1], [], []>, transpose_lhs_hint = false} : vector<64x128xf32>, vector<128x128xf32>, vector<64x128xf32> -> vector<64x128xf32>
    %add3A_655 = arith.addf %add3A_647, %dot_general3A_654 : vector<64x128xf32>
    %slice3A_656 = vector.extract_strided_slice %convert_element_type3A_4 {offsets = [0, 4], sizes = [64, 1], strides = [1, 1]} : vector<64x60xf32> to vector<64x1xf32>
    %get3A_657 = arith.constant 0 : index
    %get3A_658 = arith.constant 4 : index
    %get3A_659 = arith.constant 0 : index
    %get3A_660 = arith.constant 0 : index
    %get3A_661 = vector.load %arg1[%get3A_657, %get3A_658, %get3A_659, %get3A_660] : memref<6x10x64x896xf32, #tpu.memory_space<vmem>>, vector<1x1x64x896xf32>
    %get3A_662 = vector.shape_cast %get3A_661 : vector<1x1x64x896xf32> to vector<64x896xf32>
    %mul3A_663 = vector.broadcast %slice3A_656 : vector<64x1xf32> to vector<64x896xf32>
    %mul3A_664 = arith.mulf %get3A_662, %mul3A_663 : vector<64x896xf32>
    %get3A_665 = arith.constant 0 : index
    %get3A_666 = arith.constant 4 : index
    %get3A_667 = arith.constant 0 : index
    %get3A_668 = arith.constant 0 : index
    %get3A_669 = vector.load %arg2[%get3A_665, %get3A_666, %get3A_667, %get3A_668] : memref<6x10x64x128xf32, #tpu.memory_space<vmem>>, vector<1x1x64x128xf32>
    %get3A_670 = vector.shape_cast %get3A_669 : vector<1x1x64x128xf32> to vector<64x128xf32>
    %mul3A_671 = vector.broadcast %slice3A_656 : vector<64x1xf32> to vector<64x128xf32>
    %mul3A_672 = arith.mulf %get3A_670, %mul3A_671 : vector<64x128xf32>
    %slice3A_673 = vector.extract_strided_slice %convert_element_type3A_4 {offsets = [0, 24], sizes = [64, 1], strides = [1, 1]} : vector<64x60xf32> to vector<64x1xf32>
    %get3A_674 = arith.constant 2 : index
    %get3A_675 = arith.constant 4 : index
    %get3A_676 = arith.constant 0 : index
    %get3A_677 = arith.constant 0 : index
    %get3A_678 = vector.load %arg1[%get3A_674, %get3A_675, %get3A_676, %get3A_677] : memref<6x10x64x896xf32, #tpu.memory_space<vmem>>, vector<1x1x64x896xf32>
    %get3A_679 = vector.shape_cast %get3A_678 : vector<1x1x64x896xf32> to vector<64x896xf32>
    %mul3A_680 = vector.broadcast %slice3A_673 : vector<64x1xf32> to vector<64x896xf32>
    %mul3A_681 = arith.mulf %get3A_679, %mul3A_680 : vector<64x896xf32>
    %add3A_682 = arith.addf %mul3A_664, %mul3A_681 : vector<64x896xf32>
    %get3A_683 = arith.constant 2 : index
    %get3A_684 = arith.constant 4 : index
    %get3A_685 = arith.constant 0 : index
    %get3A_686 = arith.constant 0 : index
    %get3A_687 = vector.load %arg2[%get3A_683, %get3A_684, %get3A_685, %get3A_686] : memref<6x10x64x128xf32, #tpu.memory_space<vmem>>, vector<1x1x64x128xf32>
    %get3A_688 = vector.shape_cast %get3A_687 : vector<1x1x64x128xf32> to vector<64x128xf32>
    %mul3A_689 = vector.broadcast %slice3A_673 : vector<64x1xf32> to vector<64x128xf32>
    %mul3A_690 = arith.mulf %get3A_688, %mul3A_689 : vector<64x128xf32>
    %add3A_691 = arith.addf %mul3A_672, %mul3A_690 : vector<64x128xf32>
    %slice3A_692 = vector.extract_strided_slice %convert_element_type3A_4 {offsets = [0, 44], sizes = [64, 1], strides = [1, 1]} : vector<64x60xf32> to vector<64x1xf32>
    %get3A_693 = arith.constant 4 : index
    %get3A_694 = arith.constant 4 : index
    %get3A_695 = arith.constant 0 : index
    %get3A_696 = arith.constant 0 : index
    %get3A_697 = vector.load %arg1[%get3A_693, %get3A_694, %get3A_695, %get3A_696] : memref<6x10x64x896xf32, #tpu.memory_space<vmem>>, vector<1x1x64x896xf32>
    %get3A_698 = vector.shape_cast %get3A_697 : vector<1x1x64x896xf32> to vector<64x896xf32>
    %mul3A_699 = vector.broadcast %slice3A_692 : vector<64x1xf32> to vector<64x896xf32>
    %mul3A_700 = arith.mulf %get3A_698, %mul3A_699 : vector<64x896xf32>
    %add3A_701 = arith.addf %add3A_682, %mul3A_700 : vector<64x896xf32>
    %get3A_702 = arith.constant 4 : index
    %get3A_703 = arith.constant 4 : index
    %get3A_704 = arith.constant 0 : index
    %get3A_705 = arith.constant 0 : index
    %get3A_706 = vector.load %arg2[%get3A_702, %get3A_703, %get3A_704, %get3A_705] : memref<6x10x64x128xf32, #tpu.memory_space<vmem>>, vector<1x1x64x128xf32>
    %get3A_707 = vector.shape_cast %get3A_706 : vector<1x1x64x128xf32> to vector<64x128xf32>
    %mul3A_708 = vector.broadcast %slice3A_692 : vector<64x1xf32> to vector<64x128xf32>
    %mul3A_709 = arith.mulf %get3A_707, %mul3A_708 : vector<64x128xf32>
    %add3A_710 = arith.addf %add3A_691, %mul3A_709 : vector<64x128xf32>
    %add3A_711 = vector.broadcast %get3A_7 : vector<1x896xf32> to vector<64x896xf32>
    %add3A_712 = arith.addf %add3A_701, %add3A_711 : vector<64x896xf32>
    %max3A_713 = arith.constant 0.000000e+00 : f32
    %max3A_714 = vector.broadcast %max3A_713 : f32 to vector<64x896xf32>
    %max3A_715 = arith.maximumf %add3A_712, %max3A_714 : vector<64x896xf32>
    %add3A_716 = vector.broadcast %get3A_10 : vector<1x128xf32> to vector<64x128xf32>
    %add3A_717 = arith.addf %add3A_710, %add3A_716 : vector<64x128xf32>
    %max3A_718 = arith.constant 0.000000e+00 : f32
    %max3A_719 = vector.broadcast %max3A_718 : f32 to vector<64x128xf32>
    %max3A_720 = arith.maximumf %add3A_717, %max3A_719 : vector<64x128xf32>
    %slice3A_721 = vector.extract_strided_slice %convert_element_type3A_4 {offsets = [0, 14], sizes = [64, 1], strides = [1, 1]} : vector<64x60xf32> to vector<64x1xf32>
    %get3A_722 = arith.constant 1 : index
    %get3A_723 = arith.constant 4 : index
    %get3A_724 = arith.constant 0 : index
    %get3A_725 = arith.constant 0 : index
    %get3A_726 = vector.load %arg1[%get3A_722, %get3A_723, %get3A_724, %get3A_725] : memref<6x10x64x896xf32, #tpu.memory_space<vmem>>, vector<1x1x64x896xf32>
    %get3A_727 = vector.shape_cast %get3A_726 : vector<1x1x64x896xf32> to vector<64x896xf32>
    %mul3A_728 = vector.broadcast %slice3A_721 : vector<64x1xf32> to vector<64x896xf32>
    %mul3A_729 = arith.mulf %get3A_727, %mul3A_728 : vector<64x896xf32>
    %get3A_730 = arith.constant 1 : index
    %get3A_731 = arith.constant 4 : index
    %get3A_732 = arith.constant 0 : index
    %get3A_733 = arith.constant 0 : index
    %get3A_734 = vector.load %arg2[%get3A_730, %get3A_731, %get3A_732, %get3A_733] : memref<6x10x64x128xf32, #tpu.memory_space<vmem>>, vector<1x1x64x128xf32>
    %get3A_735 = vector.shape_cast %get3A_734 : vector<1x1x64x128xf32> to vector<64x128xf32>
    %mul3A_736 = vector.broadcast %slice3A_721 : vector<64x1xf32> to vector<64x128xf32>
    %mul3A_737 = arith.mulf %get3A_735, %mul3A_736 : vector<64x128xf32>
    %slice3A_738 = vector.extract_strided_slice %convert_element_type3A_4 {offsets = [0, 34], sizes = [64, 1], strides = [1, 1]} : vector<64x60xf32> to vector<64x1xf32>
    %get3A_739 = arith.constant 3 : index
    %get3A_740 = arith.constant 4 : index
    %get3A_741 = arith.constant 0 : index
    %get3A_742 = arith.constant 0 : index
    %get3A_743 = vector.load %arg1[%get3A_739, %get3A_740, %get3A_741, %get3A_742] : memref<6x10x64x896xf32, #tpu.memory_space<vmem>>, vector<1x1x64x896xf32>
    %get3A_744 = vector.shape_cast %get3A_743 : vector<1x1x64x896xf32> to vector<64x896xf32>
    %mul3A_745 = vector.broadcast %slice3A_738 : vector<64x1xf32> to vector<64x896xf32>
    %mul3A_746 = arith.mulf %get3A_744, %mul3A_745 : vector<64x896xf32>
    %add3A_747 = arith.addf %mul3A_729, %mul3A_746 : vector<64x896xf32>
    %get3A_748 = arith.constant 3 : index
    %get3A_749 = arith.constant 4 : index
    %get3A_750 = arith.constant 0 : index
    %get3A_751 = arith.constant 0 : index
    %get3A_752 = vector.load %arg2[%get3A_748, %get3A_749, %get3A_750, %get3A_751] : memref<6x10x64x128xf32, #tpu.memory_space<vmem>>, vector<1x1x64x128xf32>
    %get3A_753 = vector.shape_cast %get3A_752 : vector<1x1x64x128xf32> to vector<64x128xf32>
    %mul3A_754 = vector.broadcast %slice3A_738 : vector<64x1xf32> to vector<64x128xf32>
    %mul3A_755 = arith.mulf %get3A_753, %mul3A_754 : vector<64x128xf32>
    %add3A_756 = arith.addf %mul3A_737, %mul3A_755 : vector<64x128xf32>
    %slice3A_757 = vector.extract_strided_slice %convert_element_type3A_4 {offsets = [0, 54], sizes = [64, 1], strides = [1, 1]} : vector<64x60xf32> to vector<64x1xf32>
    %get3A_758 = arith.constant 5 : index
    %get3A_759 = arith.constant 4 : index
    %get3A_760 = arith.constant 0 : index
    %get3A_761 = arith.constant 0 : index
    %get3A_762 = vector.load %arg1[%get3A_758, %get3A_759, %get3A_760, %get3A_761] : memref<6x10x64x896xf32, #tpu.memory_space<vmem>>, vector<1x1x64x896xf32>
    %get3A_763 = vector.shape_cast %get3A_762 : vector<1x1x64x896xf32> to vector<64x896xf32>
    %mul3A_764 = vector.broadcast %slice3A_757 : vector<64x1xf32> to vector<64x896xf32>
    %mul3A_765 = arith.mulf %get3A_763, %mul3A_764 : vector<64x896xf32>
    %add3A_766 = arith.addf %add3A_747, %mul3A_765 : vector<64x896xf32>
    %get3A_767 = arith.constant 5 : index
    %get3A_768 = arith.constant 4 : index
    %get3A_769 = arith.constant 0 : index
    %get3A_770 = arith.constant 0 : index
    %get3A_771 = vector.load %arg2[%get3A_767, %get3A_768, %get3A_769, %get3A_770] : memref<6x10x64x128xf32, #tpu.memory_space<vmem>>, vector<1x1x64x128xf32>
    %get3A_772 = vector.shape_cast %get3A_771 : vector<1x1x64x128xf32> to vector<64x128xf32>
    %mul3A_773 = vector.broadcast %slice3A_757 : vector<64x1xf32> to vector<64x128xf32>
    %mul3A_774 = arith.mulf %get3A_772, %mul3A_773 : vector<64x128xf32>
    %add3A_775 = arith.addf %add3A_756, %mul3A_774 : vector<64x128xf32>
    %add3A_776 = vector.broadcast %get3A_7 : vector<1x896xf32> to vector<64x896xf32>
    %add3A_777 = arith.addf %add3A_766, %add3A_776 : vector<64x896xf32>
    %max3A_778 = arith.constant 0.000000e+00 : f32
    %max3A_779 = vector.broadcast %max3A_778 : f32 to vector<64x896xf32>
    %max3A_780 = arith.maximumf %add3A_777, %max3A_779 : vector<64x896xf32>
    %add3A_781 = vector.broadcast %get3A_10 : vector<1x128xf32> to vector<64x128xf32>
    %add3A_782 = arith.addf %add3A_775, %add3A_781 : vector<64x128xf32>
    %max3A_783 = arith.constant 0.000000e+00 : f32
    %max3A_784 = vector.broadcast %max3A_783 : f32 to vector<64x128xf32>
    %max3A_785 = arith.maximumf %add3A_782, %max3A_784 : vector<64x128xf32>
    %add3A_786 = arith.addf %max3A_715, %max3A_780 : vector<64x896xf32>
    %mul3A_787 = arith.constant 5.000000e-01 : f32
    %mul3A_788 = vector.broadcast %mul3A_787 : f32 to vector<64x896xf32>
    %mul3A_789 = arith.mulf %mul3A_788, %add3A_786 : vector<64x896xf32>
    %add3A_790 = arith.addf %max3A_720, %max3A_785 : vector<64x128xf32>
    %mul3A_791 = arith.constant 5.000000e-01 : f32
    %mul3A_792 = vector.broadcast %mul3A_791 : f32 to vector<64x128xf32>
    %mul3A_793 = arith.mulf %mul3A_792, %add3A_790 : vector<64x128xf32>
    %mul3A_794 = arith.mulf %mul3A_789, %mul3A_789 : vector<64x896xf32>
    %reduce_sum3A_795 = arith.constant dense<0.000000e+00> : vector<64xf32>
    %reduce_sum3A_796 = vector.multi_reduction <add>, %mul3A_794, %reduce_sum3A_795 [1] : vector<64x896xf32> to vector<64xf32>
    %add3A_797 = arith.addf %add3A_639, %reduce_sum3A_796 : vector<64xf32>
    %mul3A_798 = arith.mulf %mul3A_793, %mul3A_793 : vector<64x128xf32>
    %reduce_sum3A_799 = arith.constant dense<0.000000e+00> : vector<64xf32>
    %reduce_sum3A_800 = vector.multi_reduction <add>, %mul3A_798, %reduce_sum3A_799 [1] : vector<64x128xf32> to vector<64xf32>
    %add3A_801 = arith.addf %add3A_797, %reduce_sum3A_800 : vector<64xf32>
    %get3A_802 = arith.constant 4 : index
    %get3A_803 = arith.constant 0 : index
    %get3A_804 = arith.constant 0 : index
    %get3A_805 = vector.load %arg6[%get3A_802, %get3A_803, %get3A_804] : memref<10x896x128xf32, #tpu.memory_space<vmem>>, vector<1x896x128xf32>
    %get3A_806 = vector.shape_cast %get3A_805 : vector<1x896x128xf32> to vector<896x128xf32>
    %dot_general3A_807 = arith.constant dense<0.000000e+00> : vector<64x128xf32>
    %dot_general3A_808 = tpu.matmul %mul3A_789, %get3A_806, %dot_general3A_807 {dimension_numbers = #tpu.dot_dimension_numbers<[1], [0], [0], [1], [0, 0, 1, 1], [], []>, transpose_lhs_hint = false} : vector<64x896xf32>, vector<896x128xf32>, vector<64x128xf32> -> vector<64x128xf32>
    %add3A_809 = arith.addf %add3A_655, %dot_general3A_808 : vector<64x128xf32>
    %get3A_810 = arith.constant 4 : index
    %get3A_811 = arith.constant 0 : index
    %get3A_812 = arith.constant 0 : index
    %get3A_813 = vector.load %arg7[%get3A_810, %get3A_811, %get3A_812] : memref<10x128x128xf32, #tpu.memory_space<vmem>>, vector<1x128x128xf32>
    %get3A_814 = vector.shape_cast %get3A_813 : vector<1x128x128xf32> to vector<128x128xf32>
    %dot_general3A_815 = arith.constant dense<0.000000e+00> : vector<64x128xf32>
    %dot_general3A_816 = tpu.matmul %mul3A_793, %get3A_814, %dot_general3A_815 {dimension_numbers = #tpu.dot_dimension_numbers<[1], [0], [0], [1], [0, 0, 1, 1], [], []>, transpose_lhs_hint = false} : vector<64x128xf32>, vector<128x128xf32>, vector<64x128xf32> -> vector<64x128xf32>
    %add3A_817 = arith.addf %add3A_809, %dot_general3A_816 : vector<64x128xf32>
    %slice3A_818 = vector.extract_strided_slice %convert_element_type3A_4 {offsets = [0, 5], sizes = [64, 1], strides = [1, 1]} : vector<64x60xf32> to vector<64x1xf32>
    %get3A_819 = arith.constant 0 : index
    %get3A_820 = arith.constant 5 : index
    %get3A_821 = arith.constant 0 : index
    %get3A_822 = arith.constant 0 : index
    %get3A_823 = vector.load %arg1[%get3A_819, %get3A_820, %get3A_821, %get3A_822] : memref<6x10x64x896xf32, #tpu.memory_space<vmem>>, vector<1x1x64x896xf32>
    %get3A_824 = vector.shape_cast %get3A_823 : vector<1x1x64x896xf32> to vector<64x896xf32>
    %mul3A_825 = vector.broadcast %slice3A_818 : vector<64x1xf32> to vector<64x896xf32>
    %mul3A_826 = arith.mulf %get3A_824, %mul3A_825 : vector<64x896xf32>
    %get3A_827 = arith.constant 0 : index
    %get3A_828 = arith.constant 5 : index
    %get3A_829 = arith.constant 0 : index
    %get3A_830 = arith.constant 0 : index
    %get3A_831 = vector.load %arg2[%get3A_827, %get3A_828, %get3A_829, %get3A_830] : memref<6x10x64x128xf32, #tpu.memory_space<vmem>>, vector<1x1x64x128xf32>
    %get3A_832 = vector.shape_cast %get3A_831 : vector<1x1x64x128xf32> to vector<64x128xf32>
    %mul3A_833 = vector.broadcast %slice3A_818 : vector<64x1xf32> to vector<64x128xf32>
    %mul3A_834 = arith.mulf %get3A_832, %mul3A_833 : vector<64x128xf32>
    %slice3A_835 = vector.extract_strided_slice %convert_element_type3A_4 {offsets = [0, 25], sizes = [64, 1], strides = [1, 1]} : vector<64x60xf32> to vector<64x1xf32>
    %get3A_836 = arith.constant 2 : index
    %get3A_837 = arith.constant 5 : index
    %get3A_838 = arith.constant 0 : index
    %get3A_839 = arith.constant 0 : index
    %get3A_840 = vector.load %arg1[%get3A_836, %get3A_837, %get3A_838, %get3A_839] : memref<6x10x64x896xf32, #tpu.memory_space<vmem>>, vector<1x1x64x896xf32>
    %get3A_841 = vector.shape_cast %get3A_840 : vector<1x1x64x896xf32> to vector<64x896xf32>
    %mul3A_842 = vector.broadcast %slice3A_835 : vector<64x1xf32> to vector<64x896xf32>
    %mul3A_843 = arith.mulf %get3A_841, %mul3A_842 : vector<64x896xf32>
    %add3A_844 = arith.addf %mul3A_826, %mul3A_843 : vector<64x896xf32>
    %get3A_845 = arith.constant 2 : index
    %get3A_846 = arith.constant 5 : index
    %get3A_847 = arith.constant 0 : index
    %get3A_848 = arith.constant 0 : index
    %get3A_849 = vector.load %arg2[%get3A_845, %get3A_846, %get3A_847, %get3A_848] : memref<6x10x64x128xf32, #tpu.memory_space<vmem>>, vector<1x1x64x128xf32>
    %get3A_850 = vector.shape_cast %get3A_849 : vector<1x1x64x128xf32> to vector<64x128xf32>
    %mul3A_851 = vector.broadcast %slice3A_835 : vector<64x1xf32> to vector<64x128xf32>
    %mul3A_852 = arith.mulf %get3A_850, %mul3A_851 : vector<64x128xf32>
    %add3A_853 = arith.addf %mul3A_834, %mul3A_852 : vector<64x128xf32>
    %slice3A_854 = vector.extract_strided_slice %convert_element_type3A_4 {offsets = [0, 45], sizes = [64, 1], strides = [1, 1]} : vector<64x60xf32> to vector<64x1xf32>
    %get3A_855 = arith.constant 4 : index
    %get3A_856 = arith.constant 5 : index
    %get3A_857 = arith.constant 0 : index
    %get3A_858 = arith.constant 0 : index
    %get3A_859 = vector.load %arg1[%get3A_855, %get3A_856, %get3A_857, %get3A_858] : memref<6x10x64x896xf32, #tpu.memory_space<vmem>>, vector<1x1x64x896xf32>
    %get3A_860 = vector.shape_cast %get3A_859 : vector<1x1x64x896xf32> to vector<64x896xf32>
    %mul3A_861 = vector.broadcast %slice3A_854 : vector<64x1xf32> to vector<64x896xf32>
    %mul3A_862 = arith.mulf %get3A_860, %mul3A_861 : vector<64x896xf32>
    %add3A_863 = arith.addf %add3A_844, %mul3A_862 : vector<64x896xf32>
    %get3A_864 = arith.constant 4 : index
    %get3A_865 = arith.constant 5 : index
    %get3A_866 = arith.constant 0 : index
    %get3A_867 = arith.constant 0 : index
    %get3A_868 = vector.load %arg2[%get3A_864, %get3A_865, %get3A_866, %get3A_867] : memref<6x10x64x128xf32, #tpu.memory_space<vmem>>, vector<1x1x64x128xf32>
    %get3A_869 = vector.shape_cast %get3A_868 : vector<1x1x64x128xf32> to vector<64x128xf32>
    %mul3A_870 = vector.broadcast %slice3A_854 : vector<64x1xf32> to vector<64x128xf32>
    %mul3A_871 = arith.mulf %get3A_869, %mul3A_870 : vector<64x128xf32>
    %add3A_872 = arith.addf %add3A_853, %mul3A_871 : vector<64x128xf32>
    %add3A_873 = vector.broadcast %get3A_7 : vector<1x896xf32> to vector<64x896xf32>
    %add3A_874 = arith.addf %add3A_863, %add3A_873 : vector<64x896xf32>
    %max3A_875 = arith.constant 0.000000e+00 : f32
    %max3A_876 = vector.broadcast %max3A_875 : f32 to vector<64x896xf32>
    %max3A_877 = arith.maximumf %add3A_874, %max3A_876 : vector<64x896xf32>
    %add3A_878 = vector.broadcast %get3A_10 : vector<1x128xf32> to vector<64x128xf32>
    %add3A_879 = arith.addf %add3A_872, %add3A_878 : vector<64x128xf32>
    %max3A_880 = arith.constant 0.000000e+00 : f32
    %max3A_881 = vector.broadcast %max3A_880 : f32 to vector<64x128xf32>
    %max3A_882 = arith.maximumf %add3A_879, %max3A_881 : vector<64x128xf32>
    %slice3A_883 = vector.extract_strided_slice %convert_element_type3A_4 {offsets = [0, 15], sizes = [64, 1], strides = [1, 1]} : vector<64x60xf32> to vector<64x1xf32>
    %get3A_884 = arith.constant 1 : index
    %get3A_885 = arith.constant 5 : index
    %get3A_886 = arith.constant 0 : index
    %get3A_887 = arith.constant 0 : index
    %get3A_888 = vector.load %arg1[%get3A_884, %get3A_885, %get3A_886, %get3A_887] : memref<6x10x64x896xf32, #tpu.memory_space<vmem>>, vector<1x1x64x896xf32>
    %get3A_889 = vector.shape_cast %get3A_888 : vector<1x1x64x896xf32> to vector<64x896xf32>
    %mul3A_890 = vector.broadcast %slice3A_883 : vector<64x1xf32> to vector<64x896xf32>
    %mul3A_891 = arith.mulf %get3A_889, %mul3A_890 : vector<64x896xf32>
    %get3A_892 = arith.constant 1 : index
    %get3A_893 = arith.constant 5 : index
    %get3A_894 = arith.constant 0 : index
    %get3A_895 = arith.constant 0 : index
    %get3A_896 = vector.load %arg2[%get3A_892, %get3A_893, %get3A_894, %get3A_895] : memref<6x10x64x128xf32, #tpu.memory_space<vmem>>, vector<1x1x64x128xf32>
    %get3A_897 = vector.shape_cast %get3A_896 : vector<1x1x64x128xf32> to vector<64x128xf32>
    %mul3A_898 = vector.broadcast %slice3A_883 : vector<64x1xf32> to vector<64x128xf32>
    %mul3A_899 = arith.mulf %get3A_897, %mul3A_898 : vector<64x128xf32>
    %slice3A_900 = vector.extract_strided_slice %convert_element_type3A_4 {offsets = [0, 35], sizes = [64, 1], strides = [1, 1]} : vector<64x60xf32> to vector<64x1xf32>
    %get3A_901 = arith.constant 3 : index
    %get3A_902 = arith.constant 5 : index
    %get3A_903 = arith.constant 0 : index
    %get3A_904 = arith.constant 0 : index
    %get3A_905 = vector.load %arg1[%get3A_901, %get3A_902, %get3A_903, %get3A_904] : memref<6x10x64x896xf32, #tpu.memory_space<vmem>>, vector<1x1x64x896xf32>
    %get3A_906 = vector.shape_cast %get3A_905 : vector<1x1x64x896xf32> to vector<64x896xf32>
    %mul3A_907 = vector.broadcast %slice3A_900 : vector<64x1xf32> to vector<64x896xf32>
    %mul3A_908 = arith.mulf %get3A_906, %mul3A_907 : vector<64x896xf32>
    %add3A_909 = arith.addf %mul3A_891, %mul3A_908 : vector<64x896xf32>
    %get3A_910 = arith.constant 3 : index
    %get3A_911 = arith.constant 5 : index
    %get3A_912 = arith.constant 0 : index
    %get3A_913 = arith.constant 0 : index
    %get3A_914 = vector.load %arg2[%get3A_910, %get3A_911, %get3A_912, %get3A_913] : memref<6x10x64x128xf32, #tpu.memory_space<vmem>>, vector<1x1x64x128xf32>
    %get3A_915 = vector.shape_cast %get3A_914 : vector<1x1x64x128xf32> to vector<64x128xf32>
    %mul3A_916 = vector.broadcast %slice3A_900 : vector<64x1xf32> to vector<64x128xf32>
    %mul3A_917 = arith.mulf %get3A_915, %mul3A_916 : vector<64x128xf32>
    %add3A_918 = arith.addf %mul3A_899, %mul3A_917 : vector<64x128xf32>
    %slice3A_919 = vector.extract_strided_slice %convert_element_type3A_4 {offsets = [0, 55], sizes = [64, 1], strides = [1, 1]} : vector<64x60xf32> to vector<64x1xf32>
    %get3A_920 = arith.constant 5 : index
    %get3A_921 = arith.constant 5 : index
    %get3A_922 = arith.constant 0 : index
    %get3A_923 = arith.constant 0 : index
    %get3A_924 = vector.load %arg1[%get3A_920, %get3A_921, %get3A_922, %get3A_923] : memref<6x10x64x896xf32, #tpu.memory_space<vmem>>, vector<1x1x64x896xf32>
    %get3A_925 = vector.shape_cast %get3A_924 : vector<1x1x64x896xf32> to vector<64x896xf32>
    %mul3A_926 = vector.broadcast %slice3A_919 : vector<64x1xf32> to vector<64x896xf32>
    %mul3A_927 = arith.mulf %get3A_925, %mul3A_926 : vector<64x896xf32>
    %add3A_928 = arith.addf %add3A_909, %mul3A_927 : vector<64x896xf32>
    %get3A_929 = arith.constant 5 : index
    %get3A_930 = arith.constant 5 : index
    %get3A_931 = arith.constant 0 : index
    %get3A_932 = arith.constant 0 : index
    %get3A_933 = vector.load %arg2[%get3A_929, %get3A_930, %get3A_931, %get3A_932] : memref<6x10x64x128xf32, #tpu.memory_space<vmem>>, vector<1x1x64x128xf32>
    %get3A_934 = vector.shape_cast %get3A_933 : vector<1x1x64x128xf32> to vector<64x128xf32>
    %mul3A_935 = vector.broadcast %slice3A_919 : vector<64x1xf32> to vector<64x128xf32>
    %mul3A_936 = arith.mulf %get3A_934, %mul3A_935 : vector<64x128xf32>
    %add3A_937 = arith.addf %add3A_918, %mul3A_936 : vector<64x128xf32>
    %add3A_938 = vector.broadcast %get3A_7 : vector<1x896xf32> to vector<64x896xf32>
    %add3A_939 = arith.addf %add3A_928, %add3A_938 : vector<64x896xf32>
    %max3A_940 = arith.constant 0.000000e+00 : f32
    %max3A_941 = vector.broadcast %max3A_940 : f32 to vector<64x896xf32>
    %max3A_942 = arith.maximumf %add3A_939, %max3A_941 : vector<64x896xf32>
    %add3A_943 = vector.broadcast %get3A_10 : vector<1x128xf32> to vector<64x128xf32>
    %add3A_944 = arith.addf %add3A_937, %add3A_943 : vector<64x128xf32>
    %max3A_945 = arith.constant 0.000000e+00 : f32
    %max3A_946 = vector.broadcast %max3A_945 : f32 to vector<64x128xf32>
    %max3A_947 = arith.maximumf %add3A_944, %max3A_946 : vector<64x128xf32>
    %add3A_948 = arith.addf %max3A_877, %max3A_942 : vector<64x896xf32>
    %mul3A_949 = arith.constant 5.000000e-01 : f32
    %mul3A_950 = vector.broadcast %mul3A_949 : f32 to vector<64x896xf32>
    %mul3A_951 = arith.mulf %mul3A_950, %add3A_948 : vector<64x896xf32>
    %add3A_952 = arith.addf %max3A_882, %max3A_947 : vector<64x128xf32>
    %mul3A_953 = arith.constant 5.000000e-01 : f32
    %mul3A_954 = vector.broadcast %mul3A_953 : f32 to vector<64x128xf32>
    %mul3A_955 = arith.mulf %mul3A_954, %add3A_952 : vector<64x128xf32>
    %mul3A_956 = arith.mulf %mul3A_951, %mul3A_951 : vector<64x896xf32>
    %reduce_sum3A_957 = arith.constant dense<0.000000e+00> : vector<64xf32>
    %reduce_sum3A_958 = vector.multi_reduction <add>, %mul3A_956, %reduce_sum3A_957 [1] : vector<64x896xf32> to vector<64xf32>
    %add3A_959 = arith.addf %add3A_801, %reduce_sum3A_958 : vector<64xf32>
    %mul3A_960 = arith.mulf %mul3A_955, %mul3A_955 : vector<64x128xf32>
    %reduce_sum3A_961 = arith.constant dense<0.000000e+00> : vector<64xf32>
    %reduce_sum3A_962 = vector.multi_reduction <add>, %mul3A_960, %reduce_sum3A_961 [1] : vector<64x128xf32> to vector<64xf32>
    %add3A_963 = arith.addf %add3A_959, %reduce_sum3A_962 : vector<64xf32>
    %get3A_964 = arith.constant 5 : index
    %get3A_965 = arith.constant 0 : index
    %get3A_966 = arith.constant 0 : index
    %get3A_967 = vector.load %arg6[%get3A_964, %get3A_965, %get3A_966] : memref<10x896x128xf32, #tpu.memory_space<vmem>>, vector<1x896x128xf32>
    %get3A_968 = vector.shape_cast %get3A_967 : vector<1x896x128xf32> to vector<896x128xf32>
    %dot_general3A_969 = arith.constant dense<0.000000e+00> : vector<64x128xf32>
    %dot_general3A_970 = tpu.matmul %mul3A_951, %get3A_968, %dot_general3A_969 {dimension_numbers = #tpu.dot_dimension_numbers<[1], [0], [0], [1], [0, 0, 1, 1], [], []>, transpose_lhs_hint = false} : vector<64x896xf32>, vector<896x128xf32>, vector<64x128xf32> -> vector<64x128xf32>
    %add3A_971 = arith.addf %add3A_817, %dot_general3A_970 : vector<64x128xf32>
    %get3A_972 = arith.constant 5 : index
    %get3A_973 = arith.constant 0 : index
    %get3A_974 = arith.constant 0 : index
    %get3A_975 = vector.load %arg7[%get3A_972, %get3A_973, %get3A_974] : memref<10x128x128xf32, #tpu.memory_space<vmem>>, vector<1x128x128xf32>
    %get3A_976 = vector.shape_cast %get3A_975 : vector<1x128x128xf32> to vector<128x128xf32>
    %dot_general3A_977 = arith.constant dense<0.000000e+00> : vector<64x128xf32>
    %dot_general3A_978 = tpu.matmul %mul3A_955, %get3A_976, %dot_general3A_977 {dimension_numbers = #tpu.dot_dimension_numbers<[1], [0], [0], [1], [0, 0, 1, 1], [], []>, transpose_lhs_hint = false} : vector<64x128xf32>, vector<128x128xf32>, vector<64x128xf32> -> vector<64x128xf32>
    %add3A_979 = arith.addf %add3A_971, %dot_general3A_978 : vector<64x128xf32>
    %slice3A_980 = vector.extract_strided_slice %convert_element_type3A_4 {offsets = [0, 6], sizes = [64, 1], strides = [1, 1]} : vector<64x60xf32> to vector<64x1xf32>
    %get3A_981 = arith.constant 0 : index
    %get3A_982 = arith.constant 6 : index
    %get3A_983 = arith.constant 0 : index
    %get3A_984 = arith.constant 0 : index
    %get3A_985 = vector.load %arg1[%get3A_981, %get3A_982, %get3A_983, %get3A_984] : memref<6x10x64x896xf32, #tpu.memory_space<vmem>>, vector<1x1x64x896xf32>
    %get3A_986 = vector.shape_cast %get3A_985 : vector<1x1x64x896xf32> to vector<64x896xf32>
    %mul3A_987 = vector.broadcast %slice3A_980 : vector<64x1xf32> to vector<64x896xf32>
    %mul3A_988 = arith.mulf %get3A_986, %mul3A_987 : vector<64x896xf32>
    %get3A_989 = arith.constant 0 : index
    %get3A_990 = arith.constant 6 : index
    %get3A_991 = arith.constant 0 : index
    %get3A_992 = arith.constant 0 : index
    %get3A_993 = vector.load %arg2[%get3A_989, %get3A_990, %get3A_991, %get3A_992] : memref<6x10x64x128xf32, #tpu.memory_space<vmem>>, vector<1x1x64x128xf32>
    %get3A_994 = vector.shape_cast %get3A_993 : vector<1x1x64x128xf32> to vector<64x128xf32>
    %mul3A_995 = vector.broadcast %slice3A_980 : vector<64x1xf32> to vector<64x128xf32>
    %mul3A_996 = arith.mulf %get3A_994, %mul3A_995 : vector<64x128xf32>
    %slice3A_997 = vector.extract_strided_slice %convert_element_type3A_4 {offsets = [0, 26], sizes = [64, 1], strides = [1, 1]} : vector<64x60xf32> to vector<64x1xf32>
    %get3A_998 = arith.constant 2 : index
    %get3A_999 = arith.constant 6 : index
    %get3A_1000 = arith.constant 0 : index
    %get3A_1001 = arith.constant 0 : index
    %get3A_1002 = vector.load %arg1[%get3A_998, %get3A_999, %get3A_1000, %get3A_1001] : memref<6x10x64x896xf32, #tpu.memory_space<vmem>>, vector<1x1x64x896xf32>
    %get3A_1003 = vector.shape_cast %get3A_1002 : vector<1x1x64x896xf32> to vector<64x896xf32>
    %mul3A_1004 = vector.broadcast %slice3A_997 : vector<64x1xf32> to vector<64x896xf32>
    %mul3A_1005 = arith.mulf %get3A_1003, %mul3A_1004 : vector<64x896xf32>
    %add3A_1006 = arith.addf %mul3A_988, %mul3A_1005 : vector<64x896xf32>
    %get3A_1007 = arith.constant 2 : index
    %get3A_1008 = arith.constant 6 : index
    %get3A_1009 = arith.constant 0 : index
    %get3A_1010 = arith.constant 0 : index
    %get3A_1011 = vector.load %arg2[%get3A_1007, %get3A_1008, %get3A_1009, %get3A_1010] : memref<6x10x64x128xf32, #tpu.memory_space<vmem>>, vector<1x1x64x128xf32>
    %get3A_1012 = vector.shape_cast %get3A_1011 : vector<1x1x64x128xf32> to vector<64x128xf32>
    %mul3A_1013 = vector.broadcast %slice3A_997 : vector<64x1xf32> to vector<64x128xf32>
    %mul3A_1014 = arith.mulf %get3A_1012, %mul3A_1013 : vector<64x128xf32>
    %add3A_1015 = arith.addf %mul3A_996, %mul3A_1014 : vector<64x128xf32>
    %slice3A_1016 = vector.extract_strided_slice %convert_element_type3A_4 {offsets = [0, 46], sizes = [64, 1], strides = [1, 1]} : vector<64x60xf32> to vector<64x1xf32>
    %get3A_1017 = arith.constant 4 : index
    %get3A_1018 = arith.constant 6 : index
    %get3A_1019 = arith.constant 0 : index
    %get3A_1020 = arith.constant 0 : index
    %get3A_1021 = vector.load %arg1[%get3A_1017, %get3A_1018, %get3A_1019, %get3A_1020] : memref<6x10x64x896xf32, #tpu.memory_space<vmem>>, vector<1x1x64x896xf32>
    %get3A_1022 = vector.shape_cast %get3A_1021 : vector<1x1x64x896xf32> to vector<64x896xf32>
    %mul3A_1023 = vector.broadcast %slice3A_1016 : vector<64x1xf32> to vector<64x896xf32>
    %mul3A_1024 = arith.mulf %get3A_1022, %mul3A_1023 : vector<64x896xf32>
    %add3A_1025 = arith.addf %add3A_1006, %mul3A_1024 : vector<64x896xf32>
    %get3A_1026 = arith.constant 4 : index
    %get3A_1027 = arith.constant 6 : index
    %get3A_1028 = arith.constant 0 : index
    %get3A_1029 = arith.constant 0 : index
    %get3A_1030 = vector.load %arg2[%get3A_1026, %get3A_1027, %get3A_1028, %get3A_1029] : memref<6x10x64x128xf32, #tpu.memory_space<vmem>>, vector<1x1x64x128xf32>
    %get3A_1031 = vector.shape_cast %get3A_1030 : vector<1x1x64x128xf32> to vector<64x128xf32>
    %mul3A_1032 = vector.broadcast %slice3A_1016 : vector<64x1xf32> to vector<64x128xf32>
    %mul3A_1033 = arith.mulf %get3A_1031, %mul3A_1032 : vector<64x128xf32>
    %add3A_1034 = arith.addf %add3A_1015, %mul3A_1033 : vector<64x128xf32>
    %add3A_1035 = vector.broadcast %get3A_7 : vector<1x896xf32> to vector<64x896xf32>
    %add3A_1036 = arith.addf %add3A_1025, %add3A_1035 : vector<64x896xf32>
    %max3A_1037 = arith.constant 0.000000e+00 : f32
    %max3A_1038 = vector.broadcast %max3A_1037 : f32 to vector<64x896xf32>
    %max3A_1039 = arith.maximumf %add3A_1036, %max3A_1038 : vector<64x896xf32>
    %add3A_1040 = vector.broadcast %get3A_10 : vector<1x128xf32> to vector<64x128xf32>
    %add3A_1041 = arith.addf %add3A_1034, %add3A_1040 : vector<64x128xf32>
    %max3A_1042 = arith.constant 0.000000e+00 : f32
    %max3A_1043 = vector.broadcast %max3A_1042 : f32 to vector<64x128xf32>
    %max3A_1044 = arith.maximumf %add3A_1041, %max3A_1043 : vector<64x128xf32>
    %slice3A_1045 = vector.extract_strided_slice %convert_element_type3A_4 {offsets = [0, 16], sizes = [64, 1], strides = [1, 1]} : vector<64x60xf32> to vector<64x1xf32>
    %get3A_1046 = arith.constant 1 : index
    %get3A_1047 = arith.constant 6 : index
    %get3A_1048 = arith.constant 0 : index
    %get3A_1049 = arith.constant 0 : index
    %get3A_1050 = vector.load %arg1[%get3A_1046, %get3A_1047, %get3A_1048, %get3A_1049] : memref<6x10x64x896xf32, #tpu.memory_space<vmem>>, vector<1x1x64x896xf32>
    %get3A_1051 = vector.shape_cast %get3A_1050 : vector<1x1x64x896xf32> to vector<64x896xf32>
    %mul3A_1052 = vector.broadcast %slice3A_1045 : vector<64x1xf32> to vector<64x896xf32>
    %mul3A_1053 = arith.mulf %get3A_1051, %mul3A_1052 : vector<64x896xf32>
    %get3A_1054 = arith.constant 1 : index
    %get3A_1055 = arith.constant 6 : index
    %get3A_1056 = arith.constant 0 : index
    %get3A_1057 = arith.constant 0 : index
    %get3A_1058 = vector.load %arg2[%get3A_1054, %get3A_1055, %get3A_1056, %get3A_1057] : memref<6x10x64x128xf32, #tpu.memory_space<vmem>>, vector<1x1x64x128xf32>
    %get3A_1059 = vector.shape_cast %get3A_1058 : vector<1x1x64x128xf32> to vector<64x128xf32>
    %mul3A_1060 = vector.broadcast %slice3A_1045 : vector<64x1xf32> to vector<64x128xf32>
    %mul3A_1061 = arith.mulf %get3A_1059, %mul3A_1060 : vector<64x128xf32>
    %slice3A_1062 = vector.extract_strided_slice %convert_element_type3A_4 {offsets = [0, 36], sizes = [64, 1], strides = [1, 1]} : vector<64x60xf32> to vector<64x1xf32>
    %get3A_1063 = arith.constant 3 : index
    %get3A_1064 = arith.constant 6 : index
    %get3A_1065 = arith.constant 0 : index
    %get3A_1066 = arith.constant 0 : index
    %get3A_1067 = vector.load %arg1[%get3A_1063, %get3A_1064, %get3A_1065, %get3A_1066] : memref<6x10x64x896xf32, #tpu.memory_space<vmem>>, vector<1x1x64x896xf32>
    %get3A_1068 = vector.shape_cast %get3A_1067 : vector<1x1x64x896xf32> to vector<64x896xf32>
    %mul3A_1069 = vector.broadcast %slice3A_1062 : vector<64x1xf32> to vector<64x896xf32>
    %mul3A_1070 = arith.mulf %get3A_1068, %mul3A_1069 : vector<64x896xf32>
    %add3A_1071 = arith.addf %mul3A_1053, %mul3A_1070 : vector<64x896xf32>
    %get3A_1072 = arith.constant 3 : index
    %get3A_1073 = arith.constant 6 : index
    %get3A_1074 = arith.constant 0 : index
    %get3A_1075 = arith.constant 0 : index
    %get3A_1076 = vector.load %arg2[%get3A_1072, %get3A_1073, %get3A_1074, %get3A_1075] : memref<6x10x64x128xf32, #tpu.memory_space<vmem>>, vector<1x1x64x128xf32>
    %get3A_1077 = vector.shape_cast %get3A_1076 : vector<1x1x64x128xf32> to vector<64x128xf32>
    %mul3A_1078 = vector.broadcast %slice3A_1062 : vector<64x1xf32> to vector<64x128xf32>
    %mul3A_1079 = arith.mulf %get3A_1077, %mul3A_1078 : vector<64x128xf32>
    %add3A_1080 = arith.addf %mul3A_1061, %mul3A_1079 : vector<64x128xf32>
    %slice3A_1081 = vector.extract_strided_slice %convert_element_type3A_4 {offsets = [0, 56], sizes = [64, 1], strides = [1, 1]} : vector<64x60xf32> to vector<64x1xf32>
    %get3A_1082 = arith.constant 5 : index
    %get3A_1083 = arith.constant 6 : index
    %get3A_1084 = arith.constant 0 : index
    %get3A_1085 = arith.constant 0 : index
    %get3A_1086 = vector.load %arg1[%get3A_1082, %get3A_1083, %get3A_1084, %get3A_1085] : memref<6x10x64x896xf32, #tpu.memory_space<vmem>>, vector<1x1x64x896xf32>
    %get3A_1087 = vector.shape_cast %get3A_1086 : vector<1x1x64x896xf32> to vector<64x896xf32>
    %mul3A_1088 = vector.broadcast %slice3A_1081 : vector<64x1xf32> to vector<64x896xf32>
    %mul3A_1089 = arith.mulf %get3A_1087, %mul3A_1088 : vector<64x896xf32>
    %add3A_1090 = arith.addf %add3A_1071, %mul3A_1089 : vector<64x896xf32>
    %get3A_1091 = arith.constant 5 : index
    %get3A_1092 = arith.constant 6 : index
    %get3A_1093 = arith.constant 0 : index
    %get3A_1094 = arith.constant 0 : index
    %get3A_1095 = vector.load %arg2[%get3A_1091, %get3A_1092, %get3A_1093, %get3A_1094] : memref<6x10x64x128xf32, #tpu.memory_space<vmem>>, vector<1x1x64x128xf32>
    %get3A_1096 = vector.shape_cast %get3A_1095 : vector<1x1x64x128xf32> to vector<64x128xf32>
    %mul3A_1097 = vector.broadcast %slice3A_1081 : vector<64x1xf32> to vector<64x128xf32>
    %mul3A_1098 = arith.mulf %get3A_1096, %mul3A_1097 : vector<64x128xf32>
    %add3A_1099 = arith.addf %add3A_1080, %mul3A_1098 : vector<64x128xf32>
    %add3A_1100 = vector.broadcast %get3A_7 : vector<1x896xf32> to vector<64x896xf32>
    %add3A_1101 = arith.addf %add3A_1090, %add3A_1100 : vector<64x896xf32>
    %max3A_1102 = arith.constant 0.000000e+00 : f32
    %max3A_1103 = vector.broadcast %max3A_1102 : f32 to vector<64x896xf32>
    %max3A_1104 = arith.maximumf %add3A_1101, %max3A_1103 : vector<64x896xf32>
    %add3A_1105 = vector.broadcast %get3A_10 : vector<1x128xf32> to vector<64x128xf32>
    %add3A_1106 = arith.addf %add3A_1099, %add3A_1105 : vector<64x128xf32>
    %max3A_1107 = arith.constant 0.000000e+00 : f32
    %max3A_1108 = vector.broadcast %max3A_1107 : f32 to vector<64x128xf32>
    %max3A_1109 = arith.maximumf %add3A_1106, %max3A_1108 : vector<64x128xf32>
    %add3A_1110 = arith.addf %max3A_1039, %max3A_1104 : vector<64x896xf32>
    %mul3A_1111 = arith.constant 5.000000e-01 : f32
    %mul3A_1112 = vector.broadcast %mul3A_1111 : f32 to vector<64x896xf32>
    %mul3A_1113 = arith.mulf %mul3A_1112, %add3A_1110 : vector<64x896xf32>
    %add3A_1114 = arith.addf %max3A_1044, %max3A_1109 : vector<64x128xf32>
    %mul3A_1115 = arith.constant 5.000000e-01 : f32
    %mul3A_1116 = vector.broadcast %mul3A_1115 : f32 to vector<64x128xf32>
    %mul3A_1117 = arith.mulf %mul3A_1116, %add3A_1114 : vector<64x128xf32>
    %mul3A_1118 = arith.mulf %mul3A_1113, %mul3A_1113 : vector<64x896xf32>
    %reduce_sum3A_1119 = arith.constant dense<0.000000e+00> : vector<64xf32>
    %reduce_sum3A_1120 = vector.multi_reduction <add>, %mul3A_1118, %reduce_sum3A_1119 [1] : vector<64x896xf32> to vector<64xf32>
    %add3A_1121 = arith.addf %add3A_963, %reduce_sum3A_1120 : vector<64xf32>
    %mul3A_1122 = arith.mulf %mul3A_1117, %mul3A_1117 : vector<64x128xf32>
    %reduce_sum3A_1123 = arith.constant dense<0.000000e+00> : vector<64xf32>
    %reduce_sum3A_1124 = vector.multi_reduction <add>, %mul3A_1122, %reduce_sum3A_1123 [1] : vector<64x128xf32> to vector<64xf32>
    %add3A_1125 = arith.addf %add3A_1121, %reduce_sum3A_1124 : vector<64xf32>
    %get3A_1126 = arith.constant 6 : index
    %get3A_1127 = arith.constant 0 : index
    %get3A_1128 = arith.constant 0 : index
    %get3A_1129 = vector.load %arg6[%get3A_1126, %get3A_1127, %get3A_1128] : memref<10x896x128xf32, #tpu.memory_space<vmem>>, vector<1x896x128xf32>
    %get3A_1130 = vector.shape_cast %get3A_1129 : vector<1x896x128xf32> to vector<896x128xf32>
    %dot_general3A_1131 = arith.constant dense<0.000000e+00> : vector<64x128xf32>
    %dot_general3A_1132 = tpu.matmul %mul3A_1113, %get3A_1130, %dot_general3A_1131 {dimension_numbers = #tpu.dot_dimension_numbers<[1], [0], [0], [1], [0, 0, 1, 1], [], []>, transpose_lhs_hint = false} : vector<64x896xf32>, vector<896x128xf32>, vector<64x128xf32> -> vector<64x128xf32>
    %add3A_1133 = arith.addf %add3A_979, %dot_general3A_1132 : vector<64x128xf32>
    %get3A_1134 = arith.constant 6 : index
    %get3A_1135 = arith.constant 0 : index
    %get3A_1136 = arith.constant 0 : index
    %get3A_1137 = vector.load %arg7[%get3A_1134, %get3A_1135, %get3A_1136] : memref<10x128x128xf32, #tpu.memory_space<vmem>>, vector<1x128x128xf32>
    %get3A_1138 = vector.shape_cast %get3A_1137 : vector<1x128x128xf32> to vector<128x128xf32>
    %dot_general3A_1139 = arith.constant dense<0.000000e+00> : vector<64x128xf32>
    %dot_general3A_1140 = tpu.matmul %mul3A_1117, %get3A_1138, %dot_general3A_1139 {dimension_numbers = #tpu.dot_dimension_numbers<[1], [0], [0], [1], [0, 0, 1, 1], [], []>, transpose_lhs_hint = false} : vector<64x128xf32>, vector<128x128xf32>, vector<64x128xf32> -> vector<64x128xf32>
    %add3A_1141 = arith.addf %add3A_1133, %dot_general3A_1140 : vector<64x128xf32>
    %slice3A_1142 = vector.extract_strided_slice %convert_element_type3A_4 {offsets = [0, 7], sizes = [64, 1], strides = [1, 1]} : vector<64x60xf32> to vector<64x1xf32>
    %get3A_1143 = arith.constant 0 : index
    %get3A_1144 = arith.constant 7 : index
    %get3A_1145 = arith.constant 0 : index
    %get3A_1146 = arith.constant 0 : index
    %get3A_1147 = vector.load %arg1[%get3A_1143, %get3A_1144, %get3A_1145, %get3A_1146] : memref<6x10x64x896xf32, #tpu.memory_space<vmem>>, vector<1x1x64x896xf32>
    %get3A_1148 = vector.shape_cast %get3A_1147 : vector<1x1x64x896xf32> to vector<64x896xf32>
    %mul3A_1149 = vector.broadcast %slice3A_1142 : vector<64x1xf32> to vector<64x896xf32>
    %mul3A_1150 = arith.mulf %get3A_1148, %mul3A_1149 : vector<64x896xf32>
    %get3A_1151 = arith.constant 0 : index
    %get3A_1152 = arith.constant 7 : index
    %get3A_1153 = arith.constant 0 : index
    %get3A_1154 = arith.constant 0 : index
    %get3A_1155 = vector.load %arg2[%get3A_1151, %get3A_1152, %get3A_1153, %get3A_1154] : memref<6x10x64x128xf32, #tpu.memory_space<vmem>>, vector<1x1x64x128xf32>
    %get3A_1156 = vector.shape_cast %get3A_1155 : vector<1x1x64x128xf32> to vector<64x128xf32>
    %mul3A_1157 = vector.broadcast %slice3A_1142 : vector<64x1xf32> to vector<64x128xf32>
    %mul3A_1158 = arith.mulf %get3A_1156, %mul3A_1157 : vector<64x128xf32>
    %slice3A_1159 = vector.extract_strided_slice %convert_element_type3A_4 {offsets = [0, 27], sizes = [64, 1], strides = [1, 1]} : vector<64x60xf32> to vector<64x1xf32>
    %get3A_1160 = arith.constant 2 : index
    %get3A_1161 = arith.constant 7 : index
    %get3A_1162 = arith.constant 0 : index
    %get3A_1163 = arith.constant 0 : index
    %get3A_1164 = vector.load %arg1[%get3A_1160, %get3A_1161, %get3A_1162, %get3A_1163] : memref<6x10x64x896xf32, #tpu.memory_space<vmem>>, vector<1x1x64x896xf32>
    %get3A_1165 = vector.shape_cast %get3A_1164 : vector<1x1x64x896xf32> to vector<64x896xf32>
    %mul3A_1166 = vector.broadcast %slice3A_1159 : vector<64x1xf32> to vector<64x896xf32>
    %mul3A_1167 = arith.mulf %get3A_1165, %mul3A_1166 : vector<64x896xf32>
    %add3A_1168 = arith.addf %mul3A_1150, %mul3A_1167 : vector<64x896xf32>
    %get3A_1169 = arith.constant 2 : index
    %get3A_1170 = arith.constant 7 : index
    %get3A_1171 = arith.constant 0 : index
    %get3A_1172 = arith.constant 0 : index
    %get3A_1173 = vector.load %arg2[%get3A_1169, %get3A_1170, %get3A_1171, %get3A_1172] : memref<6x10x64x128xf32, #tpu.memory_space<vmem>>, vector<1x1x64x128xf32>
    %get3A_1174 = vector.shape_cast %get3A_1173 : vector<1x1x64x128xf32> to vector<64x128xf32>
    %mul3A_1175 = vector.broadcast %slice3A_1159 : vector<64x1xf32> to vector<64x128xf32>
    %mul3A_1176 = arith.mulf %get3A_1174, %mul3A_1175 : vector<64x128xf32>
    %add3A_1177 = arith.addf %mul3A_1158, %mul3A_1176 : vector<64x128xf32>
    %slice3A_1178 = vector.extract_strided_slice %convert_element_type3A_4 {offsets = [0, 47], sizes = [64, 1], strides = [1, 1]} : vector<64x60xf32> to vector<64x1xf32>
    %get3A_1179 = arith.constant 4 : index
    %get3A_1180 = arith.constant 7 : index
    %get3A_1181 = arith.constant 0 : index
    %get3A_1182 = arith.constant 0 : index
    %get3A_1183 = vector.load %arg1[%get3A_1179, %get3A_1180, %get3A_1181, %get3A_1182] : memref<6x10x64x896xf32, #tpu.memory_space<vmem>>, vector<1x1x64x896xf32>
    %get3A_1184 = vector.shape_cast %get3A_1183 : vector<1x1x64x896xf32> to vector<64x896xf32>
    %mul3A_1185 = vector.broadcast %slice3A_1178 : vector<64x1xf32> to vector<64x896xf32>
    %mul3A_1186 = arith.mulf %get3A_1184, %mul3A_1185 : vector<64x896xf32>
    %add3A_1187 = arith.addf %add3A_1168, %mul3A_1186 : vector<64x896xf32>
    %get3A_1188 = arith.constant 4 : index
    %get3A_1189 = arith.constant 7 : index
    %get3A_1190 = arith.constant 0 : index
    %get3A_1191 = arith.constant 0 : index
    %get3A_1192 = vector.load %arg2[%get3A_1188, %get3A_1189, %get3A_1190, %get3A_1191] : memref<6x10x64x128xf32, #tpu.memory_space<vmem>>, vector<1x1x64x128xf32>
    %get3A_1193 = vector.shape_cast %get3A_1192 : vector<1x1x64x128xf32> to vector<64x128xf32>
    %mul3A_1194 = vector.broadcast %slice3A_1178 : vector<64x1xf32> to vector<64x128xf32>
    %mul3A_1195 = arith.mulf %get3A_1193, %mul3A_1194 : vector<64x128xf32>
    %add3A_1196 = arith.addf %add3A_1177, %mul3A_1195 : vector<64x128xf32>
    %add3A_1197 = vector.broadcast %get3A_7 : vector<1x896xf32> to vector<64x896xf32>
    %add3A_1198 = arith.addf %add3A_1187, %add3A_1197 : vector<64x896xf32>
    %max3A_1199 = arith.constant 0.000000e+00 : f32
    %max3A_1200 = vector.broadcast %max3A_1199 : f32 to vector<64x896xf32>
    %max3A_1201 = arith.maximumf %add3A_1198, %max3A_1200 : vector<64x896xf32>
    %add3A_1202 = vector.broadcast %get3A_10 : vector<1x128xf32> to vector<64x128xf32>
    %add3A_1203 = arith.addf %add3A_1196, %add3A_1202 : vector<64x128xf32>
    %max3A_1204 = arith.constant 0.000000e+00 : f32
    %max3A_1205 = vector.broadcast %max3A_1204 : f32 to vector<64x128xf32>
    %max3A_1206 = arith.maximumf %add3A_1203, %max3A_1205 : vector<64x128xf32>
    %slice3A_1207 = vector.extract_strided_slice %convert_element_type3A_4 {offsets = [0, 17], sizes = [64, 1], strides = [1, 1]} : vector<64x60xf32> to vector<64x1xf32>
    %get3A_1208 = arith.constant 1 : index
    %get3A_1209 = arith.constant 7 : index
    %get3A_1210 = arith.constant 0 : index
    %get3A_1211 = arith.constant 0 : index
    %get3A_1212 = vector.load %arg1[%get3A_1208, %get3A_1209, %get3A_1210, %get3A_1211] : memref<6x10x64x896xf32, #tpu.memory_space<vmem>>, vector<1x1x64x896xf32>
    %get3A_1213 = vector.shape_cast %get3A_1212 : vector<1x1x64x896xf32> to vector<64x896xf32>
    %mul3A_1214 = vector.broadcast %slice3A_1207 : vector<64x1xf32> to vector<64x896xf32>
    %mul3A_1215 = arith.mulf %get3A_1213, %mul3A_1214 : vector<64x896xf32>
    %get3A_1216 = arith.constant 1 : index
    %get3A_1217 = arith.constant 7 : index
    %get3A_1218 = arith.constant 0 : index
    %get3A_1219 = arith.constant 0 : index
    %get3A_1220 = vector.load %arg2[%get3A_1216, %get3A_1217, %get3A_1218, %get3A_1219] : memref<6x10x64x128xf32, #tpu.memory_space<vmem>>, vector<1x1x64x128xf32>
    %get3A_1221 = vector.shape_cast %get3A_1220 : vector<1x1x64x128xf32> to vector<64x128xf32>
    %mul3A_1222 = vector.broadcast %slice3A_1207 : vector<64x1xf32> to vector<64x128xf32>
    %mul3A_1223 = arith.mulf %get3A_1221, %mul3A_1222 : vector<64x128xf32>
    %slice3A_1224 = vector.extract_strided_slice %convert_element_type3A_4 {offsets = [0, 37], sizes = [64, 1], strides = [1, 1]} : vector<64x60xf32> to vector<64x1xf32>
    %get3A_1225 = arith.constant 3 : index
    %get3A_1226 = arith.constant 7 : index
    %get3A_1227 = arith.constant 0 : index
    %get3A_1228 = arith.constant 0 : index
    %get3A_1229 = vector.load %arg1[%get3A_1225, %get3A_1226, %get3A_1227, %get3A_1228] : memref<6x10x64x896xf32, #tpu.memory_space<vmem>>, vector<1x1x64x896xf32>
    %get3A_1230 = vector.shape_cast %get3A_1229 : vector<1x1x64x896xf32> to vector<64x896xf32>
    %mul3A_1231 = vector.broadcast %slice3A_1224 : vector<64x1xf32> to vector<64x896xf32>
    %mul3A_1232 = arith.mulf %get3A_1230, %mul3A_1231 : vector<64x896xf32>
    %add3A_1233 = arith.addf %mul3A_1215, %mul3A_1232 : vector<64x896xf32>
    %get3A_1234 = arith.constant 3 : index
    %get3A_1235 = arith.constant 7 : index
    %get3A_1236 = arith.constant 0 : index
    %get3A_1237 = arith.constant 0 : index
    %get3A_1238 = vector.load %arg2[%get3A_1234, %get3A_1235, %get3A_1236, %get3A_1237] : memref<6x10x64x128xf32, #tpu.memory_space<vmem>>, vector<1x1x64x128xf32>
    %get3A_1239 = vector.shape_cast %get3A_1238 : vector<1x1x64x128xf32> to vector<64x128xf32>
    %mul3A_1240 = vector.broadcast %slice3A_1224 : vector<64x1xf32> to vector<64x128xf32>
    %mul3A_1241 = arith.mulf %get3A_1239, %mul3A_1240 : vector<64x128xf32>
    %add3A_1242 = arith.addf %mul3A_1223, %mul3A_1241 : vector<64x128xf32>
    %slice3A_1243 = vector.extract_strided_slice %convert_element_type3A_4 {offsets = [0, 57], sizes = [64, 1], strides = [1, 1]} : vector<64x60xf32> to vector<64x1xf32>
    %get3A_1244 = arith.constant 5 : index
    %get3A_1245 = arith.constant 7 : index
    %get3A_1246 = arith.constant 0 : index
    %get3A_1247 = arith.constant 0 : index
    %get3A_1248 = vector.load %arg1[%get3A_1244, %get3A_1245, %get3A_1246, %get3A_1247] : memref<6x10x64x896xf32, #tpu.memory_space<vmem>>, vector<1x1x64x896xf32>
    %get3A_1249 = vector.shape_cast %get3A_1248 : vector<1x1x64x896xf32> to vector<64x896xf32>
    %mul3A_1250 = vector.broadcast %slice3A_1243 : vector<64x1xf32> to vector<64x896xf32>
    %mul3A_1251 = arith.mulf %get3A_1249, %mul3A_1250 : vector<64x896xf32>
    %add3A_1252 = arith.addf %add3A_1233, %mul3A_1251 : vector<64x896xf32>
    %get3A_1253 = arith.constant 5 : index
    %get3A_1254 = arith.constant 7 : index
    %get3A_1255 = arith.constant 0 : index
    %get3A_1256 = arith.constant 0 : index
    %get3A_1257 = vector.load %arg2[%get3A_1253, %get3A_1254, %get3A_1255, %get3A_1256] : memref<6x10x64x128xf32, #tpu.memory_space<vmem>>, vector<1x1x64x128xf32>
    %get3A_1258 = vector.shape_cast %get3A_1257 : vector<1x1x64x128xf32> to vector<64x128xf32>
    %mul3A_1259 = vector.broadcast %slice3A_1243 : vector<64x1xf32> to vector<64x128xf32>
    %mul3A_1260 = arith.mulf %get3A_1258, %mul3A_1259 : vector<64x128xf32>
    %add3A_1261 = arith.addf %add3A_1242, %mul3A_1260 : vector<64x128xf32>
    %add3A_1262 = vector.broadcast %get3A_7 : vector<1x896xf32> to vector<64x896xf32>
    %add3A_1263 = arith.addf %add3A_1252, %add3A_1262 : vector<64x896xf32>
    %max3A_1264 = arith.constant 0.000000e+00 : f32
    %max3A_1265 = vector.broadcast %max3A_1264 : f32 to vector<64x896xf32>
    %max3A_1266 = arith.maximumf %add3A_1263, %max3A_1265 : vector<64x896xf32>
    %add3A_1267 = vector.broadcast %get3A_10 : vector<1x128xf32> to vector<64x128xf32>
    %add3A_1268 = arith.addf %add3A_1261, %add3A_1267 : vector<64x128xf32>
    %max3A_1269 = arith.constant 0.000000e+00 : f32
    %max3A_1270 = vector.broadcast %max3A_1269 : f32 to vector<64x128xf32>
    %max3A_1271 = arith.maximumf %add3A_1268, %max3A_1270 : vector<64x128xf32>
    %add3A_1272 = arith.addf %max3A_1201, %max3A_1266 : vector<64x896xf32>
    %mul3A_1273 = arith.constant 5.000000e-01 : f32
    %mul3A_1274 = vector.broadcast %mul3A_1273 : f32 to vector<64x896xf32>
    %mul3A_1275 = arith.mulf %mul3A_1274, %add3A_1272 : vector<64x896xf32>
    %add3A_1276 = arith.addf %max3A_1206, %max3A_1271 : vector<64x128xf32>
    %mul3A_1277 = arith.constant 5.000000e-01 : f32
    %mul3A_1278 = vector.broadcast %mul3A_1277 : f32 to vector<64x128xf32>
    %mul3A_1279 = arith.mulf %mul3A_1278, %add3A_1276 : vector<64x128xf32>
    %mul3A_1280 = arith.mulf %mul3A_1275, %mul3A_1275 : vector<64x896xf32>
    %reduce_sum3A_1281 = arith.constant dense<0.000000e+00> : vector<64xf32>
    %reduce_sum3A_1282 = vector.multi_reduction <add>, %mul3A_1280, %reduce_sum3A_1281 [1] : vector<64x896xf32> to vector<64xf32>
    %add3A_1283 = arith.addf %add3A_1125, %reduce_sum3A_1282 : vector<64xf32>
    %mul3A_1284 = arith.mulf %mul3A_1279, %mul3A_1279 : vector<64x128xf32>
    %reduce_sum3A_1285 = arith.constant dense<0.000000e+00> : vector<64xf32>
    %reduce_sum3A_1286 = vector.multi_reduction <add>, %mul3A_1284, %reduce_sum3A_1285 [1] : vector<64x128xf32> to vector<64xf32>
    %add3A_1287 = arith.addf %add3A_1283, %reduce_sum3A_1286 : vector<64xf32>
    %get3A_1288 = arith.constant 7 : index
    %get3A_1289 = arith.constant 0 : index
    %get3A_1290 = arith.constant 0 : index
    %get3A_1291 = vector.load %arg6[%get3A_1288, %get3A_1289, %get3A_1290] : memref<10x896x128xf32, #tpu.memory_space<vmem>>, vector<1x896x128xf32>
    %get3A_1292 = vector.shape_cast %get3A_1291 : vector<1x896x128xf32> to vector<896x128xf32>
    %dot_general3A_1293 = arith.constant dense<0.000000e+00> : vector<64x128xf32>
    %dot_general3A_1294 = tpu.matmul %mul3A_1275, %get3A_1292, %dot_general3A_1293 {dimension_numbers = #tpu.dot_dimension_numbers<[1], [0], [0], [1], [0, 0, 1, 1], [], []>, transpose_lhs_hint = false} : vector<64x896xf32>, vector<896x128xf32>, vector<64x128xf32> -> vector<64x128xf32>
    %add3A_1295 = arith.addf %add3A_1141, %dot_general3A_1294 : vector<64x128xf32>
    %get3A_1296 = arith.constant 7 : index
    %get3A_1297 = arith.constant 0 : index
    %get3A_1298 = arith.constant 0 : index
    %get3A_1299 = vector.load %arg7[%get3A_1296, %get3A_1297, %get3A_1298] : memref<10x128x128xf32, #tpu.memory_space<vmem>>, vector<1x128x128xf32>
    %get3A_1300 = vector.shape_cast %get3A_1299 : vector<1x128x128xf32> to vector<128x128xf32>
    %dot_general3A_1301 = arith.constant dense<0.000000e+00> : vector<64x128xf32>
    %dot_general3A_1302 = tpu.matmul %mul3A_1279, %get3A_1300, %dot_general3A_1301 {dimension_numbers = #tpu.dot_dimension_numbers<[1], [0], [0], [1], [0, 0, 1, 1], [], []>, transpose_lhs_hint = false} : vector<64x128xf32>, vector<128x128xf32>, vector<64x128xf32> -> vector<64x128xf32>
    %add3A_1303 = arith.addf %add3A_1295, %dot_general3A_1302 : vector<64x128xf32>
    %slice3A_1304 = vector.extract_strided_slice %convert_element_type3A_4 {offsets = [0, 8], sizes = [64, 1], strides = [1, 1]} : vector<64x60xf32> to vector<64x1xf32>
    %get3A_1305 = arith.constant 0 : index
    %get3A_1306 = arith.constant 8 : index
    %get3A_1307 = arith.constant 0 : index
    %get3A_1308 = arith.constant 0 : index
    %get3A_1309 = vector.load %arg1[%get3A_1305, %get3A_1306, %get3A_1307, %get3A_1308] : memref<6x10x64x896xf32, #tpu.memory_space<vmem>>, vector<1x1x64x896xf32>
    %get3A_1310 = vector.shape_cast %get3A_1309 : vector<1x1x64x896xf32> to vector<64x896xf32>
    %mul3A_1311 = vector.broadcast %slice3A_1304 : vector<64x1xf32> to vector<64x896xf32>
    %mul3A_1312 = arith.mulf %get3A_1310, %mul3A_1311 : vector<64x896xf32>
    %get3A_1313 = arith.constant 0 : index
    %get3A_1314 = arith.constant 8 : index
    %get3A_1315 = arith.constant 0 : index
    %get3A_1316 = arith.constant 0 : index
    %get3A_1317 = vector.load %arg2[%get3A_1313, %get3A_1314, %get3A_1315, %get3A_1316] : memref<6x10x64x128xf32, #tpu.memory_space<vmem>>, vector<1x1x64x128xf32>
    %get3A_1318 = vector.shape_cast %get3A_1317 : vector<1x1x64x128xf32> to vector<64x128xf32>
    %mul3A_1319 = vector.broadcast %slice3A_1304 : vector<64x1xf32> to vector<64x128xf32>
    %mul3A_1320 = arith.mulf %get3A_1318, %mul3A_1319 : vector<64x128xf32>
    %slice3A_1321 = vector.extract_strided_slice %convert_element_type3A_4 {offsets = [0, 28], sizes = [64, 1], strides = [1, 1]} : vector<64x60xf32> to vector<64x1xf32>
    %get3A_1322 = arith.constant 2 : index
    %get3A_1323 = arith.constant 8 : index
    %get3A_1324 = arith.constant 0 : index
    %get3A_1325 = arith.constant 0 : index
    %get3A_1326 = vector.load %arg1[%get3A_1322, %get3A_1323, %get3A_1324, %get3A_1325] : memref<6x10x64x896xf32, #tpu.memory_space<vmem>>, vector<1x1x64x896xf32>
    %get3A_1327 = vector.shape_cast %get3A_1326 : vector<1x1x64x896xf32> to vector<64x896xf32>
    %mul3A_1328 = vector.broadcast %slice3A_1321 : vector<64x1xf32> to vector<64x896xf32>
    %mul3A_1329 = arith.mulf %get3A_1327, %mul3A_1328 : vector<64x896xf32>
    %add3A_1330 = arith.addf %mul3A_1312, %mul3A_1329 : vector<64x896xf32>
    %get3A_1331 = arith.constant 2 : index
    %get3A_1332 = arith.constant 8 : index
    %get3A_1333 = arith.constant 0 : index
    %get3A_1334 = arith.constant 0 : index
    %get3A_1335 = vector.load %arg2[%get3A_1331, %get3A_1332, %get3A_1333, %get3A_1334] : memref<6x10x64x128xf32, #tpu.memory_space<vmem>>, vector<1x1x64x128xf32>
    %get3A_1336 = vector.shape_cast %get3A_1335 : vector<1x1x64x128xf32> to vector<64x128xf32>
    %mul3A_1337 = vector.broadcast %slice3A_1321 : vector<64x1xf32> to vector<64x128xf32>
    %mul3A_1338 = arith.mulf %get3A_1336, %mul3A_1337 : vector<64x128xf32>
    %add3A_1339 = arith.addf %mul3A_1320, %mul3A_1338 : vector<64x128xf32>
    %slice3A_1340 = vector.extract_strided_slice %convert_element_type3A_4 {offsets = [0, 48], sizes = [64, 1], strides = [1, 1]} : vector<64x60xf32> to vector<64x1xf32>
    %get3A_1341 = arith.constant 4 : index
    %get3A_1342 = arith.constant 8 : index
    %get3A_1343 = arith.constant 0 : index
    %get3A_1344 = arith.constant 0 : index
    %get3A_1345 = vector.load %arg1[%get3A_1341, %get3A_1342, %get3A_1343, %get3A_1344] : memref<6x10x64x896xf32, #tpu.memory_space<vmem>>, vector<1x1x64x896xf32>
    %get3A_1346 = vector.shape_cast %get3A_1345 : vector<1x1x64x896xf32> to vector<64x896xf32>
    %mul3A_1347 = vector.broadcast %slice3A_1340 : vector<64x1xf32> to vector<64x896xf32>
    %mul3A_1348 = arith.mulf %get3A_1346, %mul3A_1347 : vector<64x896xf32>
    %add3A_1349 = arith.addf %add3A_1330, %mul3A_1348 : vector<64x896xf32>
    %get3A_1350 = arith.constant 4 : index
    %get3A_1351 = arith.constant 8 : index
    %get3A_1352 = arith.constant 0 : index
    %get3A_1353 = arith.constant 0 : index
    %get3A_1354 = vector.load %arg2[%get3A_1350, %get3A_1351, %get3A_1352, %get3A_1353] : memref<6x10x64x128xf32, #tpu.memory_space<vmem>>, vector<1x1x64x128xf32>
    %get3A_1355 = vector.shape_cast %get3A_1354 : vector<1x1x64x128xf32> to vector<64x128xf32>
    %mul3A_1356 = vector.broadcast %slice3A_1340 : vector<64x1xf32> to vector<64x128xf32>
    %mul3A_1357 = arith.mulf %get3A_1355, %mul3A_1356 : vector<64x128xf32>
    %add3A_1358 = arith.addf %add3A_1339, %mul3A_1357 : vector<64x128xf32>
    %add3A_1359 = vector.broadcast %get3A_7 : vector<1x896xf32> to vector<64x896xf32>
    %add3A_1360 = arith.addf %add3A_1349, %add3A_1359 : vector<64x896xf32>
    %max3A_1361 = arith.constant 0.000000e+00 : f32
    %max3A_1362 = vector.broadcast %max3A_1361 : f32 to vector<64x896xf32>
    %max3A_1363 = arith.maximumf %add3A_1360, %max3A_1362 : vector<64x896xf32>
    %add3A_1364 = vector.broadcast %get3A_10 : vector<1x128xf32> to vector<64x128xf32>
    %add3A_1365 = arith.addf %add3A_1358, %add3A_1364 : vector<64x128xf32>
    %max3A_1366 = arith.constant 0.000000e+00 : f32
    %max3A_1367 = vector.broadcast %max3A_1366 : f32 to vector<64x128xf32>
    %max3A_1368 = arith.maximumf %add3A_1365, %max3A_1367 : vector<64x128xf32>
    %slice3A_1369 = vector.extract_strided_slice %convert_element_type3A_4 {offsets = [0, 18], sizes = [64, 1], strides = [1, 1]} : vector<64x60xf32> to vector<64x1xf32>
    %get3A_1370 = arith.constant 1 : index
    %get3A_1371 = arith.constant 8 : index
    %get3A_1372 = arith.constant 0 : index
    %get3A_1373 = arith.constant 0 : index
    %get3A_1374 = vector.load %arg1[%get3A_1370, %get3A_1371, %get3A_1372, %get3A_1373] : memref<6x10x64x896xf32, #tpu.memory_space<vmem>>, vector<1x1x64x896xf32>
    %get3A_1375 = vector.shape_cast %get3A_1374 : vector<1x1x64x896xf32> to vector<64x896xf32>
    %mul3A_1376 = vector.broadcast %slice3A_1369 : vector<64x1xf32> to vector<64x896xf32>
    %mul3A_1377 = arith.mulf %get3A_1375, %mul3A_1376 : vector<64x896xf32>
    %get3A_1378 = arith.constant 1 : index
    %get3A_1379 = arith.constant 8 : index
    %get3A_1380 = arith.constant 0 : index
    %get3A_1381 = arith.constant 0 : index
    %get3A_1382 = vector.load %arg2[%get3A_1378, %get3A_1379, %get3A_1380, %get3A_1381] : memref<6x10x64x128xf32, #tpu.memory_space<vmem>>, vector<1x1x64x128xf32>
    %get3A_1383 = vector.shape_cast %get3A_1382 : vector<1x1x64x128xf32> to vector<64x128xf32>
    %mul3A_1384 = vector.broadcast %slice3A_1369 : vector<64x1xf32> to vector<64x128xf32>
    %mul3A_1385 = arith.mulf %get3A_1383, %mul3A_1384 : vector<64x128xf32>
    %slice3A_1386 = vector.extract_strided_slice %convert_element_type3A_4 {offsets = [0, 38], sizes = [64, 1], strides = [1, 1]} : vector<64x60xf32> to vector<64x1xf32>
    %get3A_1387 = arith.constant 3 : index
    %get3A_1388 = arith.constant 8 : index
    %get3A_1389 = arith.constant 0 : index
    %get3A_1390 = arith.constant 0 : index
    %get3A_1391 = vector.load %arg1[%get3A_1387, %get3A_1388, %get3A_1389, %get3A_1390] : memref<6x10x64x896xf32, #tpu.memory_space<vmem>>, vector<1x1x64x896xf32>
    %get3A_1392 = vector.shape_cast %get3A_1391 : vector<1x1x64x896xf32> to vector<64x896xf32>
    %mul3A_1393 = vector.broadcast %slice3A_1386 : vector<64x1xf32> to vector<64x896xf32>
    %mul3A_1394 = arith.mulf %get3A_1392, %mul3A_1393 : vector<64x896xf32>
    %add3A_1395 = arith.addf %mul3A_1377, %mul3A_1394 : vector<64x896xf32>
    %get3A_1396 = arith.constant 3 : index
    %get3A_1397 = arith.constant 8 : index
    %get3A_1398 = arith.constant 0 : index
    %get3A_1399 = arith.constant 0 : index
    %get3A_1400 = vector.load %arg2[%get3A_1396, %get3A_1397, %get3A_1398, %get3A_1399] : memref<6x10x64x128xf32, #tpu.memory_space<vmem>>, vector<1x1x64x128xf32>
    %get3A_1401 = vector.shape_cast %get3A_1400 : vector<1x1x64x128xf32> to vector<64x128xf32>
    %mul3A_1402 = vector.broadcast %slice3A_1386 : vector<64x1xf32> to vector<64x128xf32>
    %mul3A_1403 = arith.mulf %get3A_1401, %mul3A_1402 : vector<64x128xf32>
    %add3A_1404 = arith.addf %mul3A_1385, %mul3A_1403 : vector<64x128xf32>
    %slice3A_1405 = vector.extract_strided_slice %convert_element_type3A_4 {offsets = [0, 58], sizes = [64, 1], strides = [1, 1]} : vector<64x60xf32> to vector<64x1xf32>
    %get3A_1406 = arith.constant 5 : index
    %get3A_1407 = arith.constant 8 : index
    %get3A_1408 = arith.constant 0 : index
    %get3A_1409 = arith.constant 0 : index
    %get3A_1410 = vector.load %arg1[%get3A_1406, %get3A_1407, %get3A_1408, %get3A_1409] : memref<6x10x64x896xf32, #tpu.memory_space<vmem>>, vector<1x1x64x896xf32>
    %get3A_1411 = vector.shape_cast %get3A_1410 : vector<1x1x64x896xf32> to vector<64x896xf32>
    %mul3A_1412 = vector.broadcast %slice3A_1405 : vector<64x1xf32> to vector<64x896xf32>
    %mul3A_1413 = arith.mulf %get3A_1411, %mul3A_1412 : vector<64x896xf32>
    %add3A_1414 = arith.addf %add3A_1395, %mul3A_1413 : vector<64x896xf32>
    %get3A_1415 = arith.constant 5 : index
    %get3A_1416 = arith.constant 8 : index
    %get3A_1417 = arith.constant 0 : index
    %get3A_1418 = arith.constant 0 : index
    %get3A_1419 = vector.load %arg2[%get3A_1415, %get3A_1416, %get3A_1417, %get3A_1418] : memref<6x10x64x128xf32, #tpu.memory_space<vmem>>, vector<1x1x64x128xf32>
    %get3A_1420 = vector.shape_cast %get3A_1419 : vector<1x1x64x128xf32> to vector<64x128xf32>
    %mul3A_1421 = vector.broadcast %slice3A_1405 : vector<64x1xf32> to vector<64x128xf32>
    %mul3A_1422 = arith.mulf %get3A_1420, %mul3A_1421 : vector<64x128xf32>
    %add3A_1423 = arith.addf %add3A_1404, %mul3A_1422 : vector<64x128xf32>
    %add3A_1424 = vector.broadcast %get3A_7 : vector<1x896xf32> to vector<64x896xf32>
    %add3A_1425 = arith.addf %add3A_1414, %add3A_1424 : vector<64x896xf32>
    %max3A_1426 = arith.constant 0.000000e+00 : f32
    %max3A_1427 = vector.broadcast %max3A_1426 : f32 to vector<64x896xf32>
    %max3A_1428 = arith.maximumf %add3A_1425, %max3A_1427 : vector<64x896xf32>
    %add3A_1429 = vector.broadcast %get3A_10 : vector<1x128xf32> to vector<64x128xf32>
    %add3A_1430 = arith.addf %add3A_1423, %add3A_1429 : vector<64x128xf32>
    %max3A_1431 = arith.constant 0.000000e+00 : f32
    %max3A_1432 = vector.broadcast %max3A_1431 : f32 to vector<64x128xf32>
    %max3A_1433 = arith.maximumf %add3A_1430, %max3A_1432 : vector<64x128xf32>
    %add3A_1434 = arith.addf %max3A_1363, %max3A_1428 : vector<64x896xf32>
    %mul3A_1435 = arith.constant 5.000000e-01 : f32
    %mul3A_1436 = vector.broadcast %mul3A_1435 : f32 to vector<64x896xf32>
    %mul3A_1437 = arith.mulf %mul3A_1436, %add3A_1434 : vector<64x896xf32>
    %add3A_1438 = arith.addf %max3A_1368, %max3A_1433 : vector<64x128xf32>
    %mul3A_1439 = arith.constant 5.000000e-01 : f32
    %mul3A_1440 = vector.broadcast %mul3A_1439 : f32 to vector<64x128xf32>
    %mul3A_1441 = arith.mulf %mul3A_1440, %add3A_1438 : vector<64x128xf32>
    %mul3A_1442 = arith.mulf %mul3A_1437, %mul3A_1437 : vector<64x896xf32>
    %reduce_sum3A_1443 = arith.constant dense<0.000000e+00> : vector<64xf32>
    %reduce_sum3A_1444 = vector.multi_reduction <add>, %mul3A_1442, %reduce_sum3A_1443 [1] : vector<64x896xf32> to vector<64xf32>
    %add3A_1445 = arith.addf %add3A_1287, %reduce_sum3A_1444 : vector<64xf32>
    %mul3A_1446 = arith.mulf %mul3A_1441, %mul3A_1441 : vector<64x128xf32>
    %reduce_sum3A_1447 = arith.constant dense<0.000000e+00> : vector<64xf32>
    %reduce_sum3A_1448 = vector.multi_reduction <add>, %mul3A_1446, %reduce_sum3A_1447 [1] : vector<64x128xf32> to vector<64xf32>
    %add3A_1449 = arith.addf %add3A_1445, %reduce_sum3A_1448 : vector<64xf32>
    %get3A_1450 = arith.constant 8 : index
    %get3A_1451 = arith.constant 0 : index
    %get3A_1452 = arith.constant 0 : index
    %get3A_1453 = vector.load %arg6[%get3A_1450, %get3A_1451, %get3A_1452] : memref<10x896x128xf32, #tpu.memory_space<vmem>>, vector<1x896x128xf32>
    %get3A_1454 = vector.shape_cast %get3A_1453 : vector<1x896x128xf32> to vector<896x128xf32>
    %dot_general3A_1455 = arith.constant dense<0.000000e+00> : vector<64x128xf32>
    %dot_general3A_1456 = tpu.matmul %mul3A_1437, %get3A_1454, %dot_general3A_1455 {dimension_numbers = #tpu.dot_dimension_numbers<[1], [0], [0], [1], [0, 0, 1, 1], [], []>, transpose_lhs_hint = false} : vector<64x896xf32>, vector<896x128xf32>, vector<64x128xf32> -> vector<64x128xf32>
    %add3A_1457 = arith.addf %add3A_1303, %dot_general3A_1456 : vector<64x128xf32>
    %get3A_1458 = arith.constant 8 : index
    %get3A_1459 = arith.constant 0 : index
    %get3A_1460 = arith.constant 0 : index
    %get3A_1461 = vector.load %arg7[%get3A_1458, %get3A_1459, %get3A_1460] : memref<10x128x128xf32, #tpu.memory_space<vmem>>, vector<1x128x128xf32>
    %get3A_1462 = vector.shape_cast %get3A_1461 : vector<1x128x128xf32> to vector<128x128xf32>
    %dot_general3A_1463 = arith.constant dense<0.000000e+00> : vector<64x128xf32>
    %dot_general3A_1464 = tpu.matmul %mul3A_1441, %get3A_1462, %dot_general3A_1463 {dimension_numbers = #tpu.dot_dimension_numbers<[1], [0], [0], [1], [0, 0, 1, 1], [], []>, transpose_lhs_hint = false} : vector<64x128xf32>, vector<128x128xf32>, vector<64x128xf32> -> vector<64x128xf32>
    %add3A_1465 = arith.addf %add3A_1457, %dot_general3A_1464 : vector<64x128xf32>
    %slice3A_1466 = vector.extract_strided_slice %convert_element_type3A_4 {offsets = [0, 9], sizes = [64, 1], strides = [1, 1]} : vector<64x60xf32> to vector<64x1xf32>
    %get3A_1467 = arith.constant 0 : index
    %get3A_1468 = arith.constant 9 : index
    %get3A_1469 = arith.constant 0 : index
    %get3A_1470 = arith.constant 0 : index
    %get3A_1471 = vector.load %arg1[%get3A_1467, %get3A_1468, %get3A_1469, %get3A_1470] : memref<6x10x64x896xf32, #tpu.memory_space<vmem>>, vector<1x1x64x896xf32>
    %get3A_1472 = vector.shape_cast %get3A_1471 : vector<1x1x64x896xf32> to vector<64x896xf32>
    %mul3A_1473 = vector.broadcast %slice3A_1466 : vector<64x1xf32> to vector<64x896xf32>
    %mul3A_1474 = arith.mulf %get3A_1472, %mul3A_1473 : vector<64x896xf32>
    %get3A_1475 = arith.constant 0 : index
    %get3A_1476 = arith.constant 9 : index
    %get3A_1477 = arith.constant 0 : index
    %get3A_1478 = arith.constant 0 : index
    %get3A_1479 = vector.load %arg2[%get3A_1475, %get3A_1476, %get3A_1477, %get3A_1478] : memref<6x10x64x128xf32, #tpu.memory_space<vmem>>, vector<1x1x64x128xf32>
    %get3A_1480 = vector.shape_cast %get3A_1479 : vector<1x1x64x128xf32> to vector<64x128xf32>
    %mul3A_1481 = vector.broadcast %slice3A_1466 : vector<64x1xf32> to vector<64x128xf32>
    %mul3A_1482 = arith.mulf %get3A_1480, %mul3A_1481 : vector<64x128xf32>
    %slice3A_1483 = vector.extract_strided_slice %convert_element_type3A_4 {offsets = [0, 29], sizes = [64, 1], strides = [1, 1]} : vector<64x60xf32> to vector<64x1xf32>
    %get3A_1484 = arith.constant 2 : index
    %get3A_1485 = arith.constant 9 : index
    %get3A_1486 = arith.constant 0 : index
    %get3A_1487 = arith.constant 0 : index
    %get3A_1488 = vector.load %arg1[%get3A_1484, %get3A_1485, %get3A_1486, %get3A_1487] : memref<6x10x64x896xf32, #tpu.memory_space<vmem>>, vector<1x1x64x896xf32>
    %get3A_1489 = vector.shape_cast %get3A_1488 : vector<1x1x64x896xf32> to vector<64x896xf32>
    %mul3A_1490 = vector.broadcast %slice3A_1483 : vector<64x1xf32> to vector<64x896xf32>
    %mul3A_1491 = arith.mulf %get3A_1489, %mul3A_1490 : vector<64x896xf32>
    %add3A_1492 = arith.addf %mul3A_1474, %mul3A_1491 : vector<64x896xf32>
    %get3A_1493 = arith.constant 2 : index
    %get3A_1494 = arith.constant 9 : index
    %get3A_1495 = arith.constant 0 : index
    %get3A_1496 = arith.constant 0 : index
    %get3A_1497 = vector.load %arg2[%get3A_1493, %get3A_1494, %get3A_1495, %get3A_1496] : memref<6x10x64x128xf32, #tpu.memory_space<vmem>>, vector<1x1x64x128xf32>
    %get3A_1498 = vector.shape_cast %get3A_1497 : vector<1x1x64x128xf32> to vector<64x128xf32>
    %mul3A_1499 = vector.broadcast %slice3A_1483 : vector<64x1xf32> to vector<64x128xf32>
    %mul3A_1500 = arith.mulf %get3A_1498, %mul3A_1499 : vector<64x128xf32>
    %add3A_1501 = arith.addf %mul3A_1482, %mul3A_1500 : vector<64x128xf32>
    %slice3A_1502 = vector.extract_strided_slice %convert_element_type3A_4 {offsets = [0, 49], sizes = [64, 1], strides = [1, 1]} : vector<64x60xf32> to vector<64x1xf32>
    %get3A_1503 = arith.constant 4 : index
    %get3A_1504 = arith.constant 9 : index
    %get3A_1505 = arith.constant 0 : index
    %get3A_1506 = arith.constant 0 : index
    %get3A_1507 = vector.load %arg1[%get3A_1503, %get3A_1504, %get3A_1505, %get3A_1506] : memref<6x10x64x896xf32, #tpu.memory_space<vmem>>, vector<1x1x64x896xf32>
    %get3A_1508 = vector.shape_cast %get3A_1507 : vector<1x1x64x896xf32> to vector<64x896xf32>
    %mul3A_1509 = vector.broadcast %slice3A_1502 : vector<64x1xf32> to vector<64x896xf32>
    %mul3A_1510 = arith.mulf %get3A_1508, %mul3A_1509 : vector<64x896xf32>
    %add3A_1511 = arith.addf %add3A_1492, %mul3A_1510 : vector<64x896xf32>
    %get3A_1512 = arith.constant 4 : index
    %get3A_1513 = arith.constant 9 : index
    %get3A_1514 = arith.constant 0 : index
    %get3A_1515 = arith.constant 0 : index
    %get3A_1516 = vector.load %arg2[%get3A_1512, %get3A_1513, %get3A_1514, %get3A_1515] : memref<6x10x64x128xf32, #tpu.memory_space<vmem>>, vector<1x1x64x128xf32>
    %get3A_1517 = vector.shape_cast %get3A_1516 : vector<1x1x64x128xf32> to vector<64x128xf32>
    %mul3A_1518 = vector.broadcast %slice3A_1502 : vector<64x1xf32> to vector<64x128xf32>
    %mul3A_1519 = arith.mulf %get3A_1517, %mul3A_1518 : vector<64x128xf32>
    %add3A_1520 = arith.addf %add3A_1501, %mul3A_1519 : vector<64x128xf32>
    %add3A_1521 = vector.broadcast %get3A_7 : vector<1x896xf32> to vector<64x896xf32>
    %add3A_1522 = arith.addf %add3A_1511, %add3A_1521 : vector<64x896xf32>
    %max3A_1523 = arith.constant 0.000000e+00 : f32
    %max3A_1524 = vector.broadcast %max3A_1523 : f32 to vector<64x896xf32>
    %max3A_1525 = arith.maximumf %add3A_1522, %max3A_1524 : vector<64x896xf32>
    %add3A_1526 = vector.broadcast %get3A_10 : vector<1x128xf32> to vector<64x128xf32>
    %add3A_1527 = arith.addf %add3A_1520, %add3A_1526 : vector<64x128xf32>
    %max3A_1528 = arith.constant 0.000000e+00 : f32
    %max3A_1529 = vector.broadcast %max3A_1528 : f32 to vector<64x128xf32>
    %max3A_1530 = arith.maximumf %add3A_1527, %max3A_1529 : vector<64x128xf32>
    %slice3A_1531 = vector.extract_strided_slice %convert_element_type3A_4 {offsets = [0, 19], sizes = [64, 1], strides = [1, 1]} : vector<64x60xf32> to vector<64x1xf32>
    %get3A_1532 = arith.constant 1 : index
    %get3A_1533 = arith.constant 9 : index
    %get3A_1534 = arith.constant 0 : index
    %get3A_1535 = arith.constant 0 : index
    %get3A_1536 = vector.load %arg1[%get3A_1532, %get3A_1533, %get3A_1534, %get3A_1535] : memref<6x10x64x896xf32, #tpu.memory_space<vmem>>, vector<1x1x64x896xf32>
    %get3A_1537 = vector.shape_cast %get3A_1536 : vector<1x1x64x896xf32> to vector<64x896xf32>
    %mul3A_1538 = vector.broadcast %slice3A_1531 : vector<64x1xf32> to vector<64x896xf32>
    %mul3A_1539 = arith.mulf %get3A_1537, %mul3A_1538 : vector<64x896xf32>
    %get3A_1540 = arith.constant 1 : index
    %get3A_1541 = arith.constant 9 : index
    %get3A_1542 = arith.constant 0 : index
    %get3A_1543 = arith.constant 0 : index
    %get3A_1544 = vector.load %arg2[%get3A_1540, %get3A_1541, %get3A_1542, %get3A_1543] : memref<6x10x64x128xf32, #tpu.memory_space<vmem>>, vector<1x1x64x128xf32>
    %get3A_1545 = vector.shape_cast %get3A_1544 : vector<1x1x64x128xf32> to vector<64x128xf32>
    %mul3A_1546 = vector.broadcast %slice3A_1531 : vector<64x1xf32> to vector<64x128xf32>
    %mul3A_1547 = arith.mulf %get3A_1545, %mul3A_1546 : vector<64x128xf32>
    %slice3A_1548 = vector.extract_strided_slice %convert_element_type3A_4 {offsets = [0, 39], sizes = [64, 1], strides = [1, 1]} : vector<64x60xf32> to vector<64x1xf32>
    %get3A_1549 = arith.constant 3 : index
    %get3A_1550 = arith.constant 9 : index
    %get3A_1551 = arith.constant 0 : index
    %get3A_1552 = arith.constant 0 : index
    %get3A_1553 = vector.load %arg1[%get3A_1549, %get3A_1550, %get3A_1551, %get3A_1552] : memref<6x10x64x896xf32, #tpu.memory_space<vmem>>, vector<1x1x64x896xf32>
    %get3A_1554 = vector.shape_cast %get3A_1553 : vector<1x1x64x896xf32> to vector<64x896xf32>
    %mul3A_1555 = vector.broadcast %slice3A_1548 : vector<64x1xf32> to vector<64x896xf32>
    %mul3A_1556 = arith.mulf %get3A_1554, %mul3A_1555 : vector<64x896xf32>
    %add3A_1557 = arith.addf %mul3A_1539, %mul3A_1556 : vector<64x896xf32>
    %get3A_1558 = arith.constant 3 : index
    %get3A_1559 = arith.constant 9 : index
    %get3A_1560 = arith.constant 0 : index
    %get3A_1561 = arith.constant 0 : index
    %get3A_1562 = vector.load %arg2[%get3A_1558, %get3A_1559, %get3A_1560, %get3A_1561] : memref<6x10x64x128xf32, #tpu.memory_space<vmem>>, vector<1x1x64x128xf32>
    %get3A_1563 = vector.shape_cast %get3A_1562 : vector<1x1x64x128xf32> to vector<64x128xf32>
    %mul3A_1564 = vector.broadcast %slice3A_1548 : vector<64x1xf32> to vector<64x128xf32>
    %mul3A_1565 = arith.mulf %get3A_1563, %mul3A_1564 : vector<64x128xf32>
    %add3A_1566 = arith.addf %mul3A_1547, %mul3A_1565 : vector<64x128xf32>
    %slice3A_1567 = vector.extract_strided_slice %convert_element_type3A_4 {offsets = [0, 59], sizes = [64, 1], strides = [1, 1]} : vector<64x60xf32> to vector<64x1xf32>
    %get3A_1568 = arith.constant 5 : index
    %get3A_1569 = arith.constant 9 : index
    %get3A_1570 = arith.constant 0 : index
    %get3A_1571 = arith.constant 0 : index
    %get3A_1572 = vector.load %arg1[%get3A_1568, %get3A_1569, %get3A_1570, %get3A_1571] : memref<6x10x64x896xf32, #tpu.memory_space<vmem>>, vector<1x1x64x896xf32>
    %get3A_1573 = vector.shape_cast %get3A_1572 : vector<1x1x64x896xf32> to vector<64x896xf32>
    %mul3A_1574 = vector.broadcast %slice3A_1567 : vector<64x1xf32> to vector<64x896xf32>
    %mul3A_1575 = arith.mulf %get3A_1573, %mul3A_1574 : vector<64x896xf32>
    %add3A_1576 = arith.addf %add3A_1557, %mul3A_1575 : vector<64x896xf32>
    %get3A_1577 = arith.constant 5 : index
    %get3A_1578 = arith.constant 9 : index
    %get3A_1579 = arith.constant 0 : index
    %get3A_1580 = arith.constant 0 : index
    %get3A_1581 = vector.load %arg2[%get3A_1577, %get3A_1578, %get3A_1579, %get3A_1580] : memref<6x10x64x128xf32, #tpu.memory_space<vmem>>, vector<1x1x64x128xf32>
    %get3A_1582 = vector.shape_cast %get3A_1581 : vector<1x1x64x128xf32> to vector<64x128xf32>
    %mul3A_1583 = vector.broadcast %slice3A_1567 : vector<64x1xf32> to vector<64x128xf32>
    %mul3A_1584 = arith.mulf %get3A_1582, %mul3A_1583 : vector<64x128xf32>
    %add3A_1585 = arith.addf %add3A_1566, %mul3A_1584 : vector<64x128xf32>
    %add3A_1586 = vector.broadcast %get3A_7 : vector<1x896xf32> to vector<64x896xf32>
    %add3A_1587 = arith.addf %add3A_1576, %add3A_1586 : vector<64x896xf32>
    %max3A_1588 = arith.constant 0.000000e+00 : f32
    %max3A_1589 = vector.broadcast %max3A_1588 : f32 to vector<64x896xf32>
    %max3A_1590 = arith.maximumf %add3A_1587, %max3A_1589 : vector<64x896xf32>
    %add3A_1591 = vector.broadcast %get3A_10 : vector<1x128xf32> to vector<64x128xf32>
    %add3A_1592 = arith.addf %add3A_1585, %add3A_1591 : vector<64x128xf32>
    %max3A_1593 = arith.constant 0.000000e+00 : f32
    %max3A_1594 = vector.broadcast %max3A_1593 : f32 to vector<64x128xf32>
    %max3A_1595 = arith.maximumf %add3A_1592, %max3A_1594 : vector<64x128xf32>
    %add3A_1596 = arith.addf %max3A_1525, %max3A_1590 : vector<64x896xf32>
    %mul3A_1597 = arith.constant 5.000000e-01 : f32
    %mul3A_1598 = vector.broadcast %mul3A_1597 : f32 to vector<64x896xf32>
    %mul3A_1599 = arith.mulf %mul3A_1598, %add3A_1596 : vector<64x896xf32>
    %add3A_1600 = arith.addf %max3A_1530, %max3A_1595 : vector<64x128xf32>
    %mul3A_1601 = arith.constant 5.000000e-01 : f32
    %mul3A_1602 = vector.broadcast %mul3A_1601 : f32 to vector<64x128xf32>
    %mul3A_1603 = arith.mulf %mul3A_1602, %add3A_1600 : vector<64x128xf32>
    %mul3A_1604 = arith.mulf %mul3A_1599, %mul3A_1599 : vector<64x896xf32>
    %reduce_sum3A_1605 = arith.constant dense<0.000000e+00> : vector<64xf32>
    %reduce_sum3A_1606 = vector.multi_reduction <add>, %mul3A_1604, %reduce_sum3A_1605 [1] : vector<64x896xf32> to vector<64xf32>
    %add3A_1607 = arith.addf %add3A_1449, %reduce_sum3A_1606 : vector<64xf32>
    %mul3A_1608 = arith.mulf %mul3A_1603, %mul3A_1603 : vector<64x128xf32>
    %reduce_sum3A_1609 = arith.constant dense<0.000000e+00> : vector<64xf32>
    %reduce_sum3A_1610 = vector.multi_reduction <add>, %mul3A_1608, %reduce_sum3A_1609 [1] : vector<64x128xf32> to vector<64xf32>
    %add3A_1611 = arith.addf %add3A_1607, %reduce_sum3A_1610 : vector<64xf32>
    %get3A_1612 = arith.constant 9 : index
    %get3A_1613 = arith.constant 0 : index
    %get3A_1614 = arith.constant 0 : index
    %get3A_1615 = vector.load %arg6[%get3A_1612, %get3A_1613, %get3A_1614] : memref<10x896x128xf32, #tpu.memory_space<vmem>>, vector<1x896x128xf32>
    %get3A_1616 = vector.shape_cast %get3A_1615 : vector<1x896x128xf32> to vector<896x128xf32>
    %dot_general3A_1617 = arith.constant dense<0.000000e+00> : vector<64x128xf32>
    %dot_general3A_1618 = tpu.matmul %mul3A_1599, %get3A_1616, %dot_general3A_1617 {dimension_numbers = #tpu.dot_dimension_numbers<[1], [0], [0], [1], [0, 0, 1, 1], [], []>, transpose_lhs_hint = false} : vector<64x896xf32>, vector<896x128xf32>, vector<64x128xf32> -> vector<64x128xf32>
    %add3A_1619 = arith.addf %add3A_1465, %dot_general3A_1618 : vector<64x128xf32>
    %get3A_1620 = arith.constant 9 : index
    %get3A_1621 = arith.constant 0 : index
    %get3A_1622 = arith.constant 0 : index
    %get3A_1623 = vector.load %arg7[%get3A_1620, %get3A_1621, %get3A_1622] : memref<10x128x128xf32, #tpu.memory_space<vmem>>, vector<1x128x128xf32>
    %get3A_1624 = vector.shape_cast %get3A_1623 : vector<1x128x128xf32> to vector<128x128xf32>
    %dot_general3A_1625 = arith.constant dense<0.000000e+00> : vector<64x128xf32>
    %dot_general3A_1626 = tpu.matmul %mul3A_1603, %get3A_1624, %dot_general3A_1625 {dimension_numbers = #tpu.dot_dimension_numbers<[1], [0], [0], [1], [0, 0, 1, 1], [], []>, transpose_lhs_hint = false} : vector<64x128xf32>, vector<128x128xf32>, vector<64x128xf32> -> vector<64x128xf32>
    %add3A_1627 = arith.addf %add3A_1619, %dot_general3A_1626 : vector<64x128xf32>
    %add3A_1628 = arith.constant 1.000000e+00 : f32
    %add3A_1629 = vector.broadcast %add3A_1628 : f32 to vector<64xf32>
    %add3A_1630 = arith.addf %add3A_1629, %add3A_1611 : vector<64xf32>
    %rsqrt3A = math.rsqrt %add3A_1630 : vector<64xf32>
    %broadcast_in_dim3A_1631 = vector.shape_cast %rsqrt3A : vector<64xf32> to vector<64x1xf32>
    %mul3A_1632 = vector.broadcast %broadcast_in_dim3A_1631 : vector<64x1xf32> to vector<64x128xf32>
    %mul3A_1633 = arith.mulf %add3A_1627, %mul3A_1632 : vector<64x128xf32>
    %get3A_1634 = arith.constant 0 : index
    %get3A_1635 = arith.constant 0 : index
    %get3A_1636 = vector.load %arg8[%get3A_1634, %get3A_1635] : memref<1x128xf32, #tpu.memory_space<vmem>>, vector<1x128xf32>
    %add3A_1637 = vector.broadcast %get3A_1636 : vector<1x128xf32> to vector<64x128xf32>
    %add3A_1638 = arith.addf %mul3A_1633, %add3A_1637 : vector<64x128xf32>
    %swap3A = arith.constant 0 : index
    %swap3A_1639 = arith.constant 0 : index
    %swap3A_1640 = vector.load %arg9[%swap3A, %swap3A_1639] : memref<64x128xf32, #tpu.memory_space<vmem>>, vector<64x128xf32>
    tpu.vector_store %arg9[%swap3A, %swap3A_1639], %add3A_1638 {strides = array<i32>} : memref<64x128xf32, #tpu.memory_space<vmem>>, vector<64x128xf32>,
    return
  }
  func.func @transform_0(%arg0: i32) -> (i32, i32, i32, i32) {
    %c0_i32 = arith.constant 0 : i32
    %c0_i32_0 = arith.constant 0 : i32
    %c0_i32_1 = arith.constant 0 : i32
    %c0_i32_2 = arith.constant 0 : i32
    return %c0_i32, %c0_i32_0, %arg0, %c0_i32_1 : i32, i32, i32, i32
  }
  func.func @transform_1(%arg0: i32) -> (i32, i32, i32, i32) {
    %c0_i32 = arith.constant 0 : i32
    %c0_i32_0 = arith.constant 0 : i32
    %c0_i32_1 = arith.constant 0 : i32
    %c0_i32_2 = arith.constant 0 : i32
    return %c0_i32, %c0_i32_0, %arg0, %c0_i32_1 : i32, i32, i32, i32
  }
  func.func @transform_2(%arg0: i32) -> (i32, i32) {
    %c0_i32 = arith.constant 0 : i32
    %c0_i32_0 = arith.constant 0 : i32
    return %arg0, %c0_i32 : i32, i32
  }
  func.func @transform_3(%arg0: i32) -> (i32, i32) {
    %c0_i32 = arith.constant 0 : i32
    %c0_i32_0 = arith.constant 0 : i32
    %c0_i32_1 = arith.constant 0 : i32
    return %c0_i32, %c0_i32_0 : i32, i32
  }
  func.func @transform_4(%arg0: i32) -> (i32, i32) {
    %c0_i32 = arith.constant 0 : i32
    %c0_i32_0 = arith.constant 0 : i32
    %c0_i32_1 = arith.constant 0 : i32
    return %c0_i32, %c0_i32_0 : i32, i32
  }
  func.func @transform_5(%arg0: i32) -> (i32, i32, i32) {
    %c0_i32 = arith.constant 0 : i32
    %c0_i32_0 = arith.constant 0 : i32
    %c0_i32_1 = arith.constant 0 : i32
    %c0_i32_2 = arith.constant 0 : i32
    return %c0_i32, %c0_i32_0, %c0_i32_1 : i32, i32, i32
  }
  func.func @transform_6(%arg0: i32) -> (i32, i32, i32) {
    %c0_i32 = arith.constant 0 : i32
    %c0_i32_0 = arith.constant 0 : i32
    %c0_i32_1 = arith.constant 0 : i32
    %c0_i32_2 = arith.constant 0 : i32
    return %c0_i32, %c0_i32_0, %c0_i32_1 : i32, i32, i32
  }
  func.func @transform_7(%arg0: i32) -> (i32, i32) {
    %c0_i32 = arith.constant 0 : i32
    %c0_i32_0 = arith.constant 0 : i32
    %c0_i32_1 = arith.constant 0 : i32
    return %c0_i32, %c0_i32_0 : i32, i32
  }
  func.func @transform_8(%arg0: i32) -> (i32, i32) {
    %c0_i32 = arith.constant 0 : i32
    %c0_i32_0 = arith.constant 0 : i32
    return %arg0, %c0_i32 : i32, i32
  }
}

</mosaic_0001>

<sc_bundles>
// kernel: kernel.4.cloned.1.call-start
scs
__scs_entry_jumppad:
0x0: {  	(pc) =	sbr.rel $0x88, $3  }
0x1: {  	(tag) =	ssettag $0x0;
	lr =	simm.s32 $0x1  }
0x2: {  	[smem:$0x3F9C] =	sst lr;
	_ =	strace $0xD0000000  }
0x3: {  	_ = 	snop  }
0x4: {  	_ = 	snop  }
0x5: {  	_ = 	snop  }
0x6: {  	_ = 	snop  }
0x7: {  	_ = 	snop  }
__scs_overlays_trampoline_lowered:
0x8: {  	[smem:$0x3FAB] =	sst s0  }
0x9: {  	[smem:$0x3FAC] =	sst s1  }
0xa: {  	[smem:$0x3FAD] =	sst s2  }
0xb: {  	[smem:$0x3FAE] =	sst s3  }
0xc: {  	[smem:$0x3FAF] =	sst s4  }
0xd: {  	[smem:$0x3FB0] =	sst s5  }
0xe: {  	[smem:$0x3FB1] =	sst s6  }
0xf: {  	[smem:$0x3FB2] =	sst s7  }
0x10: {  	[smem:$0x3FB3] =	sst s8  }
0x11: {  	[smem:$0x3FB4] =	sst s9;
	s0 =	simm.s32 @!p0 $0x0  }
0x12: {  	s1 =	sld [smem:$0x3F9A];
	s0 =	simm.s32 @p0 $0x1  }
0x13: {  	[smem:$0x3FB5] =	sst s0;
	s0 =	simm.s32 @!p1 $0x0  }
0x14: {  	s2 =	sld [smem:$0x3F99];
	s0 =	simm.s32 @p1 $0x1  }
0x15: {  	[smem:$0x3FB6] =	sst s0;
	s0 =	simm.s32 @!p2 $0x0  }
0x16: {  	s3 =	sld [smem:$0x3FDB];
	s0 =	simm.s32 @p2 $0x1  }
0x17: {  	s4 =	simm.s32 $0x1BF5;
	[smem:$0x3FB8] =	sst s0  }
0x18: {  	s0 =	sld [smem:$0x3F9B];
	_ =	swait.ge [sflag:s4], $0x0  }
0x19: {  	s7 =	sld [smem:$0x3F9C]  }
0x1a: {  	s8 =	sadd.s32 $0xFFFFE003, lr  }
0x1b: {  	s9 =	sadd.s32 $0xFFFFFEF7, lr;
	s5 =	simm.s32 $0xFFFFFFFF;
	p2 =	slt.u32 s8, $0xFFFFF086  }
0x1c: {  	p1 =	slt.u32 s9, $0xF7A;
	s5 =	simm.s32 @!p2 $0x0  }
0x1d: {  	s5 =	simm.s32 @p1 $0x1;
	p0 =	seq.s32 s7, s2  }
0x1e: {  	s7 =	smul.u32 @!p0 $0xF7A, s2;
	p2 =	seq.s32 @!p0 s5, $0x0  }
0x1f: {  	s9 =	smul.u32 $0xF7A, s1;
	s8 =	simm.s32 @!p0 $0x1BF5;
	p2 =	por !p2, p0  }
0x20: {  	[sflag:s8] =	ssyncset.s32 @!p0 $0xFFFFF086;
	s6 =	sadd.s32 @!p0 s3, s7;
	s7 =	simm.s32 @!p0 $0x108  }
0x21: {  	s3 =	sadd.s32 s3, s9;
	s6 =	sadd.s32 @!p0 $0x88, s6;
	s7 =	simm.s32 @p2 $0x1082  }
0x22: {  	[simem:s7], [sflag:s8] =	dma.local @!p0 [hbm:s6], $0xF7A  }
0x23: {  	s9 =	sor.u32 $0xD0000000, s2;
	s6 =	simm.s32 $0x108;
	_ =	swait.ge @!p0 [sflag:s8], $0x0  }
0x24: {  	s3 =	sadd.s32 $0x88, s3;
	s6 =	simm.s32 @!p1 $0x1082;
	[sflag:s4] =	ssyncset.s32 $0xFFFFF086  }
0x25: {  	[simem:s6], [sflag:s4] =	dma.local [hbm:s3], $0xF7A  }
0x26: {  	[smem:$0x3F9C] =	sst s1;
	(tag) =	ssettag s2;
	_ =	strace s9  }
0x27: {  	s1 =	sld [smem:$0x3FAC]  }
0x28: {  	s2 =	sld [smem:$0x3FAD]  }
0x29: {  	s4 =	sld [smem:$0x3FAF]  }
0x2a: {  	p0 =	seq.s32 s5, $0x0;
	s5 =	sld [smem:$0x3FB0]  }
0x2b: {  	s6 =	sld [smem:$0x3FB1]  }
0x2c: {  	s7 =	sld [smem:$0x3FB2]  }
0x2d: {  	s3 =	simm.s32 $0x108;
	s8 =	sld [smem:$0x3FB3]  }
0x2e: {  	s3 =	simm.s32 @!p0 $0x1082;
	s9 =	sld [smem:$0x3FB4]  }
0x2f: {  	lr =	sadd.s32 s0, s3;
	s0 =	sld [smem:$0x3FAB]  }
0x30: {  	s3 =	sld [smem:$0x3FAE]  }
0x31: {  	[smem:$0x3FB7] =	sst s10  }
0x32: {  	s10 =	sld [smem:$0x3FB5];
	_ =	sdelay $0x3  }
0x33: {  	p0 =	seq.s32 s10, $0x1;
	s10 =	sld [smem:$0x3FB7];
	_ =	sdelay $0x3  }
0x34: {  	[smem:$0x3FB7] =	sst s10  }
0x35: {  	s10 =	sld [smem:$0x3FB6];
	_ =	sdelay $0x3  }
0x36: {  	p1 =	seq.s32 s10, $0x1;
	s10 =	sld [smem:$0x3FB7];
	_ =	sdelay $0x3  }
0x37: {  	[smem:$0x3FB7] =	sst s10  }
0x38: {  	s10 =	sld [smem:$0x3FB8]  }
0x39: {  	_ = 	snop;
	(pc) =	sbr.ind lr, $3  }
0x3a: {  	_ = 	snop  }
0x3b: {  	_ = 	snop  }
0x3c: {  	p2 =	seq.s32 s10, $0x1;
	s10 =	sld [smem:$0x3FB7]  }
0x3d: {  	_ =	shalt  }
0x3e: {  	_ =	shalt  }
0x3f: {  	_ =	shalt  }
0x40: {  	_ =	shalt  }
0x41: {  	_ =	shalt  }
0x42: {  	_ =	shalt  }
0x43: {  	_ =	shalt  }
0x44: {  	_ =	shalt  }
0x45: {  	_ =	shalt  }
0x46: {  	_ =	shalt  }
0x47: {  	_ =	shalt  }
0x48: {  	_ =	shalt  }
0x49: {  	_ =	shalt  }
0x4a: {  	_ =	shalt  }
0x4b: {  	_ =	shalt  }
0x4c: {  	_ =	shalt  }
0x4d: {  	_ =	shalt  }
0x4e: {  	_ =	shalt  }
0x4f: {  	_ =	shalt  }
0x50: {  	_ =	shalt  }
0x51: {  	_ =	shalt  }
0x52: {  	_ =	shalt  }
0x53: {  	_ =	shalt  }
0x54: {  	_ =	shalt  }
0x55: {  	_ =	shalt  }
0x56: {  	_ =	shalt  }
0x57: {  	_ =	shalt  }
0x58: {  	_ =	shalt  }
0x59: {  	_ =	shalt  }
0x5a: {  	_ =	shalt  }
0x5b: {  	_ =	shalt  }
0x5c: {  	_ =	shalt  }
0x5d: {  	_ =	shalt  }
0x5e: {  	_ =	shalt  }
0x5f: {  	_ =	shalt  }
0x60: {  	_ =	shalt  }
0x61: {  	_ =	shalt  }
0x62: {  	_ =	shalt  }
0x63: {  	_ =	shalt  }
0x64: {  	_ =	shalt  }
0x65: {  	_ =	shalt  }
0x66: {  	_ =	shalt  }
0x67: {  	_ =	shalt  }
0x68: {  	_ =	shalt  }
0x69: {  	_ =	shalt  }
0x6a: {  	_ =	shalt  }
0x6b: {  	_ =	shalt  }
0x6c: {  	_ =	shalt  }
0x6d: {  	_ =	shalt  }
0x6e: {  	_ =	shalt  }
0x6f: {  	_ =	shalt  }
0x70: {  	_ =	shalt  }
0x71: {  	_ =	shalt  }
0x72: {  	_ =	shalt  }
0x73: {  	_ =	shalt  }
0x74: {  	_ =	shalt  }
0x75: {  	_ =	shalt  }
0x76: {  	_ =	shalt  }
0x77: {  	_ =	shalt  }
0x78: {  	_ =	shalt  }
0x79: {  	_ =	shalt  }
0x7a: {  	_ =	shalt  }
0x7b: {  	_ =	shalt  }
0x7c: {  	_ =	shalt  }
0x7d: {  	_ =	shalt  }
0x7e: {  	_ =	shalt  }
0x7f: {  	_ =	shalt  }
0x80: {  	_ =	shalt  }
0x81: {  	_ =	shalt  }
0x82: {  	_ =	shalt  }
0x83: {  	_ =	shalt  }
0x84: {  	_ =	shalt  }
0x85: {  	_ =	shalt  }
0x86: {  	_ =	shalt  }
0x87: {  	_ =	shalt  }
.Lfunc_end0:
.L_simem_size_0:
called_computation_lowered:
.L_overlay_start_0:
0x88: {  	s2 =	sld [smem:$0x3FD9]  }
0x89: {  	s3 =	sld [smem:$0x3FFE];
	_ =	sdelay $0x1  }
0x8a: {  	s1 =	srdreg.scid  }
0x8b: {  	s0 =	sand.u32 $0x1, s1  }
0x8c: {  	s16 =	sshll.u32 s0, $0xA;
	s2 =	sadd.s32 s3, s2  }
0x8d: {  	s2 =	sadd.s32 s2, s16  }
0x8e: {  	[smem:$0x3FC3] =	sst s2  }
0x8f: {  	_ = 	snop  }
0x90: {  	(tm) =	ssettm $0x1  }
0x91: {  	s17 =	sld [smem:$0x3FFB];
	_ =	sdelay $0x3  }
0x92: {  	_ =	strace s17  }
0x93: {  	s2 =	sld [smem:$0x3FFC];
	_ =	sdelay $0x3  }
0x94: {  	_ =	strace s2  }
0x95: {  	s2 =	sld [smem:$0x3FFD];
	_ =	sdelay $0x3  }
0x96: {  	_ =	strace s2  }
0x97: {  	_ =	strace $0x8FFFFFFF  }
0x98: {  	s18 =	sld [smem:$0x3FDB];
	_ =	sdelay $0x1  }
0x99: {  	s19 =	simm.s32 $_scs_section_size  }
0x9a: {  	s4 =	simm.s32 $_size__tile_overlayer_lowered;
	s5 =	simm.s32 $_tile_overlayer_lowered  }
0x9b: {  	s22 =	simm.s32 $0x1BFF;
	s21 =	sshll.u32 s5, $0x1;
	s2 =	sadd.s32 s19, s18  }
0x9c: {  	s6 =	simm.s32 $0x0;
	s20 =	sshll.u32 s4, $0x1;
	s4 =	sadd.s32 s21, s2  }
0x9d: {  	[timem:s6], [sflag:s22] =	dma.local [hbm:s4], s20  }
0x9e: {  	_ =	swait.ge [sflag:s22], s20  }
0x9f: {  	s3 =	ssub.s32 $0x0, s20;
	[sflag:s22] =	ssyncset.done $0x0  }
0xa0: {  	[sflag:s22] =	ssyncadd.s32 s3;
	_ =	sdelay $0x1  }
0xa1: {  	s23 =	simm.s32 $0x1B8B  }
0xa2: {  	_ =	swait.ge [sflag:s23], $0x1  }
0xa3: {  	[sflag:s23] =	ssyncset.done $0x0  }
0xa4: {  	s25 =	simm.s32 $0x1B8E;
	s24 =	sld [smem:$0x3FFE];
	[sflag:s23] =	ssyncadd.s32 $0xFFFFFFFF  }
0xa5: {  	s26 =	simm.s32 $execute0_lowered;
	[smem:$0x3FD2] =	sst s25  }
0xa6: {  	s4 =	sshll.u32 s26, $0x1;
	_ =	strace $0x80000046;
	[dreg:$0x1] =	wrdreg $0xFFFFFFFF  }
0xa7: {  	s28 =	simm.s32 $_size_execute0_lowered;
	s2 =	sadd.s32 s2, s4;
	[dreg:$0x0] =	wrdreg $0x0  }
0xa8: {  	s4 =	sshll.u32 s28, $0x1;
	[dreg:$0x2] =	wrdreg s2  }
0xa9: {  	[dreg:$0x3] =	wrdreg s4  }
0xaa: {  	[dreg:$0x4] =	wrdreg $0xC0  }
0xab: {  	_ =	task [dreg:s6], $0x5FFFF  }
0xac: {  	[dreg:$0x1] =	wrdreg $0xFFFFFFFF  }
0xad: {  	[dreg:$0x0] =	wrdreg $0x60  }
0xae: {  	[dreg:$0x2] =	wrdreg s24  }
0xaf: {  	[dreg:$0x3] =	wrdreg $0x9  }
0xb0: {  	_ =	task.clear_ibuf [dreg:s6], $0x4FFFF;
	_ =	strace $0x90000046  }
0xb1: {  	s29 =	simm.s32 $0x9;
	_ =	strace $0x80000048  }
0xb2: {  	_ =	swait.ge [sflag:s29], $0x1  }
0xb3: {  	[sflag:s29] =	ssyncadd.s32 $0xFFFFFFFF  }
0xb4: {  	_ =	strace $0x90000048  }
0xb5: {  	_ =	sfence  }
0xb6: {  	s30 =	sld [smem:$0x0];
	_ =	sdelay $0x2  }
0xb7: {  	s31 =	sshll.u32 s1, $0xD;
	s1 =	sshrl.u32 s1, $0x2  }
0xb8: {  	s3 =	sand.u32 $0x4000, s31;
	s1 =	sadd.s32 s1, s30  }
0xb9: {  	s0 =	sor.u32 s3, s0;
	s1 =	sshll.u32 s1, $0x11  }
0xba: {  	s0 =	sor.u32 s1, s0  }
0xbb: {  	s0 =	sadd.s32 $0x8F2B, s0  }
0xbc: {  	[sflag:s0] =	ssyncadd.remote.s32 $0x1  }
0xbd: {  	_ =	sfence.sel $0xFFFF  }
0xbe: {  	[dreg:$0x0] =	wrdreg $0xFFFFFFFF;
	(pc) =	sbr.abs _section_cstart, $3  }
0xbf: {  	[dreg:$0x1] =	wrdreg $0xFFFFFFFF  }
0xc0: {  	_ =	task.clear_ibuf [dreg:s6], $0x2FFFF;
	_ =	strace $0x9FFFFFFF  }
0xc1: {  	(tm) =	ssettm $0x7FFFFFFF  }
tec
execute0_lowered:
.L_overlay_start_1:
0x0: {  	(tag) =	ssettag $0x1  }
0x1: {  	s0 =	rddreg [dreg:$0x0]  }
0x2: {  	s2 =	simm.s32 $0x0;
	s8 =	stileid.u32;
	s1 =	srdreg.scid  }
0x3: {  	s16 =	simm.s32 $0x9;
	s28 =	simm.s32 $0x15D00;
	s29 =	simm.s32 $0x16500  }
0x4: {  	s30 =	simm.s32 $0x16900;
	s31 =	simm.s32 $0x1;
	s15 =	simm.s32 $0x0  }
0x5: {  	[smem:$0x7FF] =	sst s2;
	s3 =	sadd.s32 $0xDBEC00, s0;
	s5 =	smul.u32 $0xF000, s8  }
0x6: {  	s1 =	sand.u32 $0x1, s1;
	s9 =	sadd.s32 $0xDBCE00, s0;
	s10 =	sadd.s32 $0xF45600, s0  }
0x7: {  	s4 =	sshll.u32 s8, $0x1;
	s8 =	smul.u32 $0xF00, s8;
	_ =	strace $0x80000047  }
0x8: {  	s6 =	sor.u32 s1, s4;
	s7 =	ssub.s32 $0x2, s1;
	s12 =	smul.u32 $0x780, s1  }
0x9: {  	s4 =	sadd.s32 $0x1400, s0;
	s20 =	smul.u32 $0x7800, s1;
	s11 =	sshrl.u32 s7, $0x1  }
0xa: {  	s6 =	smul.u32 $0x780, s6;
	s5 =	sadd.s32 s5, s0;
	s11 =	ssub.s32 s7, s11  }
0xb: {  	s7 =	sadd.s32 $0x1600, s0;
	s12 =	sadd.s32 s12, s8;
	s8 =	sadd.s32 $0x1700, s0  }
0xc: {  	s6 =	sshrl.u32 s6, $0x3;
	s18 =	sadd.s32 $0x90, s12;
	s11 =	smax.u32 s11, $0x1  }
0xd: {  	s19 =	sor.u32 $0x30, s12;
	s22 =	sor.u32 $0x60, s12;
	s12 =	sshrl.u32 s12, $0x3  }
0xe: {  	s13 =	sadd.s32 s9, s6;
	s6 =	sadd.s32 $0x1500, s0;
	[dreg:$0x4] =	wrdreg s11  }
0xf: {  	s0 =	sshrl.u32 s18, $0x3;
	s21 =	sshrl.u32 s19, $0x3;
	s23 =	sshrl.u32 s22, $0x3  }
0x10: {  	s12 =	smul.u32 $0x380, s12;
	s22 =	simm.s32 $0xC080;
	[dreg:$0x2] =	wrdreg s13  }
0x11: {  	s17 =	sadd.s32 $0x6, s13;
	s11 =	sadd.s32 s0, s9;
	s1 =	smul.u32 $0x380, s21  }
0x12: {  	s0 =	sadd.s32 s20, s5;
	s25 =	sadd.s32 s23, s9;
	s20 =	simm.s32 $0x30  }
0x13: {  	s21 =	simm.s32 $0xA880;
	s23 =	simm.s32 $0xC100;
	s9 =	simm.s32 $0x6  }
0x14: {  	s5 =	simm.s32 $0x4;
	s13 =	simm.s32 $0x8;
	[dreg:$0x3] =	wrdreg s17  }
.Ltmp0:
0x15: {  	s0 =	sadd.s32 $0xC36700, s0;
	[dreg:$0x7] =	wrdreg s25;
	(pc) =	sbr.rel .LBB2_1-.Ltmp0, $4  }
0x16: {  	s26 =	sadd.s32 s12, s10;
	s17 =	simm.s32 $0x80;
	s25 =	simm.s32 $0x14D00  }
0x17: {  	v2 =	vlaneseq.u32;
	s12 =	simm.s32 $0x7;
	[dreg:$0x5] =	wrdreg s0;
	s24 =	sadd.s32 s1, s10  }
0x18: {  	vm0 =	vmmov $0xffff;
	vm1 =	vmmov $0xff;
	v1 =	vshrl.u32 v2, $0x3;
	[dreg:$0x8] =	wrdreg s26;
	s26 =	simm.s32 $0x15500;
	s0 =	simm.s32 $0x2  }
0x19: {  	v0 =	vand.u32 $0x7, v2;
	v2 =	vor.u32 $0x8, v2;
	v1 =	vmul.u32 $0x8, v1;
	s1 =	simm.s32 $0x5;
	s10 =	simm.s32 $0x3;
	[dreg:$0x6] =	wrdreg s24  }
.LBB2_6:
0x1a: {  	_ =	swait.ge [sflag:s10], $0xA800  }
0x1b: {  	[sflag:s10] =	ssyncset.done $0x0  }
0x1c: {  	[sflag:s10] =	ssyncadd.s32 $0xFFFF5800  }
0x1d: {  	_ =	swait.ge [sflag:s5], $0x1800  }
0x1e: {  	[sflag:s5] =	ssyncset.done $0x0  }
0x1f: {  	[sflag:s5] =	ssyncadd.s32 $0xFFFFE800  }
0x20: {  	_ =	swait.ge [sflag:s12], $0xA800  }
0x21: {  	[sflag:s12] =	ssyncset.done $0x0  }
0x22: {  	[sflag:s12] =	ssyncadd.s32 $0xFFFF5800  }
0x23: {  	_ =	swait.ge [sflag:s13], $0x1800  }
0x24: {  	s15 =	rddreg [dreg:$0x9]  }
0x25: {  	s14 =	rddreg [dreg:$0x4];
	s15 =	sadd.s32 $0x1, s15  }
0x26: {  	p0 =	sne.s32 s15, s14  }
.Ltmp1:
0x27: {  	_ = 	snop;
	(pc) =	sbr.rel @!p0 .LBB2_7-.Ltmp1, $3  }
0x28: {  	_ =	sdelay $0x1  }
0x29: {  	[sflag:s13] =	ssyncset.done $0x0  }
0x2a: {  	[sflag:s13] =	ssyncadd.s32 $0xFFFFE800  }
.LBB2_1:
0x2b: {  	[dreg:$0x9] =	wrdreg s15  }
0x2c: {  	s14 =	rddreg [dreg:$0x2]  }
0x2d: {  	[tilespmem:s2], [sflag:$0x9] =	stream.linear.gather [hbm4b:s14+s2], $0x30, $0x38;
	[tilespmem:$0x18100] =	vst v63  }
0x2e: {  	_ =	swait.ge [sflag:s16], $0x30  }
0x2f: {  	[sflag:s16] =	ssyncset.done $0x0  }
0x30: {  	[sflag:s16] =	ssyncadd.s32 $0xFFFFFFD0  }
0x31: {  	v3 =	vld [tilespmem:$0x0];
	_ =	sdelay $0x4  }
0x32: {  	v4 =	vshll.u32 v3, $0x3  }
0x33: {  	v3 =	vand.u32 $0x7, v3;
	v4 =	vand.u32 $0xFFFFFFC0, v4  }
0x34: {  	v3 =	vor.u32 v3, v4  }
0x35: {  	v4 =	vperm.xlane v3, v0;
	_ =	sdelay $0x1  }
0x36: {  	v4 =	vadd.s32 v1, v4;
	_ =	sdelay $0x4  }
0x37: {  	[tilespmem:s17], [sflag:$0x1] =	stream.indirect_vreg.gather [hbm4b:s4+s2], $0x80, v4, vm0, $0xb8;
	[tilespmem:$0x18100] =	vst v63  }
0x38: {  	s18 =	simm.s32 $0x880;
	v3 =	vperm.xlane v3, v2  }
0x39: {  	[tilespmem:s18], [sflag:$0x1] =	stream.indirect_vreg.gather [hbm4b:s6+s2], $0x80, v4, vm0, $0xb8;
	[tilespmem:$0x18100] =	vst v63  }
0x3a: {  	s19 =	simm.s32 $0x1080;
	v3 =	vadd.s32 v1, v3  }
0x3b: {  	[tilespmem:s19], [sflag:$0x1] =	stream.indirect_vreg.gather [hbm4b:s7+s2], $0x80, v4, vm0, $0xb8;
	[tilespmem:$0x18100] =	vst v63  }
0x3c: {  	s24 =	simm.s32 $0x1880  }
0x3d: {  	[tilespmem:s24], [sflag:$0x1] =	stream.indirect_vreg.gather [hbm4b:s8+s2], $0x80, v4, vm1, $0xb8;
	[tilespmem:$0x18100] =	vst v63  }
0x3e: {  	s15 =	simm.s32 $0x1C80  }
0x3f: {  	[tilespmem:s15], [sflag:$0x1] =	stream.indirect_vreg.gather [hbm4b:s4+s2], $0x80, v3, vm0, $0xb8;
	[tilespmem:$0x18100] =	vst v63  }
0x40: {  	s18 =	simm.s32 $0x2480  }
0x41: {  	[tilespmem:s18], [sflag:$0x1] =	stream.indirect_vreg.gather [hbm4b:s6+s2], $0x80, v3, vm0, $0xb8;
	[tilespmem:$0x18100] =	vst v63  }
0x42: {  	s19 =	simm.s32 $0x2C80  }
0x43: {  	[tilespmem:s19], [sflag:$0x1] =	stream.indirect_vreg.gather [hbm4b:s7+s2], $0x80, v3, vm0, $0xb8;
	[tilespmem:$0x18100] =	vst v63  }
0x44: {  	s24 =	simm.s32 $0x3480  }
0x45: {  	[tilespmem:s24], [sflag:$0x1] =	stream.indirect_vreg.gather [hbm4b:s8+s2], $0x80, v3, vm1, $0xb8;
	[tilespmem:$0x18100] =	vst v63  }
0x46: {  	v3 =	vld [tilespmem:$0x10];
	_ =	sdelay $0x4  }
0x47: {  	v59 =	vshll.u32 v3, $0x3  }
0x48: {  	v3 =	vand.u32 $0x7, v3;
	v4 =	vand.u32 $0xFFFFFFC0, v59  }
0x49: {  	v3 =	vor.u32 v3, v4  }
0x4a: {  	v4 =	vperm.xlane v3, v0;
	_ =	sdelay $0x1  }
0x4b: {  	v4 =	vadd.s32 v1, v4;
	_ =	sdelay $0x3  }
0x4c: {  	s15 =	simm.s32 $0x3880  }
0x4d: {  	[tilespmem:s15], [sflag:$0x1] =	stream.indirect_vreg.gather [hbm4b:s4+s2], $0x80, v4, vm0, $0xb8;
	[tilespmem:$0x18100] =	vst v63  }
0x4e: {  	s18 =	simm.s32 $0x4080;
	v3 =	vperm.xlane v3, v2  }
0x4f: {  	[tilespmem:s18], [sflag:$0x1] =	stream.indirect_vreg.gather [hbm4b:s6+s2], $0x80, v4, vm0, $0xb8;
	[tilespmem:$0x18100] =	vst v63  }
0x50: {  	s19 =	simm.s32 $0x4880;
	v3 =	vadd.s32 v1, v3  }
0x51: {  	[tilespmem:s19], [sflag:$0x1] =	stream.indirect_vreg.gather [hbm4b:s7+s2], $0x80, v4, vm0, $0xb8;
	[tilespmem:$0x18100] =	vst v63  }
0x52: {  	s24 =	simm.s32 $0x5080  }
0x53: {  	[tilespmem:s24], [sflag:$0x1] =	stream.indirect_vreg.gather [hbm4b:s8+s2], $0x80, v4, vm1, $0xb8;
	[tilespmem:$0x18100] =	vst v63  }
0x54: {  	s15 =	simm.s32 $0x5480  }
0x55: {  	[tilespmem:s15], [sflag:$0x1] =	stream.indirect_vreg.gather [hbm4b:s4+s2], $0x80, v3, vm0, $0xb8;
	[tilespmem:$0x18100] =	vst v63  }
0x56: {  	s18 =	simm.s32 $0x5C80  }
0x57: {  	[tilespmem:s18], [sflag:$0x1] =	stream.indirect_vreg.gather [hbm4b:s6+s2], $0x80, v3, vm0, $0xb8;
	[tilespmem:$0x18100] =	vst v63  }
0x58: {  	s19 =	simm.s32 $0x6480  }
0x59: {  	[tilespmem:s19], [sflag:$0x1] =	stream.indirect_vreg.gather [hbm4b:s7+s2], $0x80, v3, vm0, $0xb8;
	[tilespmem:$0x18100] =	vst v63  }
0x5a: {  	s24 =	simm.s32 $0x6C80  }
0x5b: {  	[tilespmem:s24], [sflag:$0x1] =	stream.indirect_vreg.gather [hbm4b:s8+s2], $0x80, v3, vm1, $0xb8;
	[tilespmem:$0x18100] =	vst v63  }
0x5c: {  	v3 =	vld [tilespmem:$0x20];
	_ =	sdelay $0x4  }
0x5d: {  	v60 =	vshll.u32 v3, $0x3  }
0x5e: {  	v3 =	vand.u32 $0x7, v3;
	v4 =	vand.u32 $0xFFFFFFC0, v60  }
0x5f: {  	v3 =	vor.u32 v3, v4  }
0x60: {  	v4 =	vperm.xlane v3, v0;
	_ =	sdelay $0x1  }
0x61: {  	v4 =	vadd.s32 v1, v4;
	_ =	sdelay $0x3  }
0x62: {  	s15 =	simm.s32 $0x7080  }
0x63: {  	[tilespmem:s15], [sflag:$0x1] =	stream.indirect_vreg.gather [hbm4b:s4+s2], $0x80, v4, vm0, $0xb8;
	[tilespmem:$0x18100] =	vst v63  }
0x64: {  	s18 =	simm.s32 $0x7880;
	v3 =	vperm.xlane v3, v2  }
0x65: {  	[tilespmem:s18], [sflag:$0x1] =	stream.indirect_vreg.gather [hbm4b:s6+s2], $0x80, v4, vm0, $0xb8;
	[tilespmem:$0x18100] =	vst v63  }
0x66: {  	s19 =	simm.s32 $0x8080;
	v3 =	vadd.s32 v1, v3  }
0x67: {  	[tilespmem:s19], [sflag:$0x1] =	stream.indirect_vreg.gather [hbm4b:s7+s2], $0x80, v4, vm0, $0xb8;
	[tilespmem:$0x18100] =	vst v63  }
0x68: {  	s24 =	simm.s32 $0x8880  }
0x69: {  	[tilespmem:s24], [sflag:$0x1] =	stream.indirect_vreg.gather [hbm4b:s8+s2], $0x80, v4, vm1, $0xb8;
	[tilespmem:$0x18100] =	vst v63  }
0x6a: {  	s15 =	simm.s32 $0x8C80  }
0x6b: {  	[tilespmem:s15], [sflag:$0x1] =	stream.indirect_vreg.gather [hbm4b:s4+s2], $0x80, v3, vm0, $0xb8;
	[tilespmem:$0x18100] =	vst v63  }
0x6c: {  	s18 =	simm.s32 $0x9480  }
0x6d: {  	[tilespmem:s18], [sflag:$0x1] =	stream.indirect_vreg.gather [hbm4b:s6+s2], $0x80, v3, vm0, $0xb8;
	[tilespmem:$0x18100] =	vst v63  }
0x6e: {  	s19 =	simm.s32 $0x9C80  }
0x6f: {  	[tilespmem:s19], [sflag:$0x1] =	stream.indirect_vreg.gather [hbm4b:s7+s2], $0x80, v3, vm0, $0xb8;
	[tilespmem:$0x18100] =	vst v63  }
0x70: {  	s24 =	simm.s32 $0xA480  }
0x71: {  	[tilespmem:s24], [sflag:$0x1] =	stream.indirect_vreg.gather [hbm4b:s8+s2], $0x80, v3, vm1, $0xb8;
	[tilespmem:$0x18100] =	vst v63  }
0x72: {  	_ = 	snop  }
0x73: {  	[tilespmem:s21], [sflag:$0x2] =	stream.indirect.gather [hbm4b:s3+s20], $0x80, s2, s20, $0xb8;
	[tilespmem:$0x18100] =	vst v63  }
0x74: {  	s15 =	rddreg [dreg:$0x3]  }
0x75: {  	[tilespmem:s22], [sflag:$0x9] =	stream.linear.gather [hbm4b:s15+s2], $0x30, $0x38;
	[tilespmem:$0x18100] =	vst v63  }
0x76: {  	_ =	swait.ge [sflag:s16], $0x30  }
0x77: {  	[sflag:s16] =	ssyncset.done $0x0  }
0x78: {  	[sflag:s16] =	ssyncadd.s32 $0xFFFFFFD0  }
0x79: {  	v3 =	vld [tilespmem:$0xC080];
	_ =	sdelay $0x4  }
0x7a: {  	v61 =	vshll.u32 v3, $0x3  }
0x7b: {  	v3 =	vand.u32 $0x7, v3;
	v4 =	vand.u32 $0xFFFFFFC0, v61  }
0x7c: {  	v3 =	vor.u32 v3, v4  }
0x7d: {  	v4 =	vperm.xlane v3, v0;
	_ =	sdelay $0x1  }
0x7e: {  	v4 =	vadd.s32 v1, v4;
	_ =	sdelay $0x4  }
0x7f: {  	[tilespmem:s23], [sflag:$0x5] =	stream.indirect_vreg.gather [hbm4b:s4+s2], $0x80, v4, vm0, $0xb8;
	[tilespmem:$0x18100] =	vst v63  }
0x80: {  	s18 =	simm.s32 $0xC900;
	v3 =	vperm.xlane v3, v2  }
0x81: {  	[tilespmem:s18], [sflag:$0x5] =	stream.indirect_vreg.gather [hbm4b:s6+s2], $0x80, v4, vm0, $0xb8;
	[tilespmem:$0x18100] =	vst v63  }
0x82: {  	s19 =	simm.s32 $0xD100;
	v3 =	vadd.s32 v1, v3  }
0x83: {  	[tilespmem:s19], [sflag:$0x5] =	stream.indirect_vreg.gather [hbm4b:s7+s2], $0x80, v4, vm0, $0xb8;
	[tilespmem:$0x18100] =	vst v63  }
0x84: {  	s24 =	simm.s32 $0xD900  }
0x85: {  	[tilespmem:s24], [sflag:$0x5] =	stream.indirect_vreg.gather [hbm4b:s8+s2], $0x80, v4, vm1, $0xb8;
	[tilespmem:$0x18100] =	vst v63  }
0x86: {  	s15 =	simm.s32 $0xDD00  }
0x87: {  	[tilespmem:s15], [sflag:$0x5] =	stream.indirect_vreg.gather [hbm4b:s4+s2], $0x80, v3, vm0, $0xb8;
	[tilespmem:$0x18100] =	vst v63  }
0x88: {  	s18 =	simm.s32 $0xE500  }
0x89: {  	[tilespmem:s18], [sflag:$0x5] =	stream.indirect_vreg.gather [hbm4b:s6+s2], $0x80, v3, vm0, $0xb8;
	[tilespmem:$0x18100] =	vst v63  }
0x8a: {  	s19 =	simm.s32 $0xED00  }
0x8b: {  	[tilespmem:s19], [sflag:$0x5] =	stream.indirect_vreg.gather [hbm4b:s7+s2], $0x80, v3, vm0, $0xb8;
	[tilespmem:$0x18100] =	vst v63  }
0x8c: {  	s24 =	simm.s32 $0xF500  }
0x8d: {  	[tilespmem:s24], [sflag:$0x5] =	stream.indirect_vreg.gather [hbm4b:s8+s2], $0x80, v3, vm1, $0xb8;
	[tilespmem:$0x18100] =	vst v63  }
0x8e: {  	v3 =	vld [tilespmem:$0xC090];
	_ =	sdelay $0x4  }
0x8f: {  	v62 =	vshll.u32 v3, $0x3  }
0x90: {  	v3 =	vand.u32 $0x7, v3;
	v4 =	vand.u32 $0xFFFFFFC0, v62  }
0x91: {  	v3 =	vor.u32 v3, v4  }
0x92: {  	v4 =	vperm.xlane v3, v0;
	_ =	sdelay $0x1  }
0x93: {  	v4 =	vadd.s32 v1, v4;
	_ =	sdelay $0x3  }
0x94: {  	s15 =	simm.s32 $0xF900  }
0x95: {  	[tilespmem:s15], [sflag:$0x5] =	stream.indirect_vreg.gather [hbm4b:s4+s2], $0x80, v4, vm0, $0xb8;
	[tilespmem:$0x18100] =	vst v63  }
0x96: {  	s18 =	simm.s32 $0x10100;
	v3 =	vperm.xlane v3, v2  }
0x97: {  	[tilespmem:s18], [sflag:$0x5] =	stream.indirect_vreg.gather [hbm4b:s6+s2], $0x80, v4, vm0, $0xb8;
	[tilespmem:$0x18100] =	vst v63  }
0x98: {  	s19 =	simm.s32 $0x10900;
	v3 =	vadd.s32 v1, v3  }
0x99: {  	[tilespmem:s19], [sflag:$0x5] =	stream.indirect_vreg.gather [hbm4b:s7+s2], $0x80, v4, vm0, $0xb8;
	[tilespmem:$0x18100] =	vst v63  }
0x9a: {  	s24 =	simm.s32 $0x11100  }
0x9b: {  	[tilespmem:s24], [sflag:$0x5] =	stream.indirect_vreg.gather [hbm4b:s8+s2], $0x80, v4, vm1, $0xb8;
	[tilespmem:$0x18100] =	vst v63  }
0x9c: {  	s15 =	simm.s32 $0x11500  }
0x9d: {  	[tilespmem:s15], [sflag:$0x5] =	stream.indirect_vreg.gather [hbm4b:s4+s2], $0x80, v3, vm0, $0xb8;
	[tilespmem:$0x18100] =	vst v63  }
0x9e: {  	s18 =	simm.s32 $0x11D00  }
0x9f: {  	[tilespmem:s18], [sflag:$0x5] =	stream.indirect_vreg.gather [hbm4b:s6+s2], $0x80, v3, vm0, $0xb8;
	[tilespmem:$0x18100] =	vst v63  }
0xa0: {  	s19 =	simm.s32 $0x12500  }
0xa1: {  	[tilespmem:s19], [sflag:$0x5] =	stream.indirect_vreg.gather [hbm4b:s7+s2], $0x80, v3, vm0, $0xb8;
	[tilespmem:$0x18100] =	vst v63  }
0xa2: {  	s24 =	simm.s32 $0x12D00  }
0xa3: {  	[tilespmem:s24], [sflag:$0x5] =	stream.indirect_vreg.gather [hbm4b:s8+s2], $0x80, v3, vm1, $0xb8;
	[tilespmem:$0x18100] =	vst v63  }
0xa4: {  	v3 =	vld [tilespmem:$0xC0A0];
	_ =	sdelay $0x4  }
0xa5: {  	v63 =	vshll.u32 v3, $0x3  }
0xa6: {  	v3 =	vand.u32 $0x7, v3;
	v4 =	vand.u32 $0xFFFFFFC0, v63  }
0xa7: {  	v3 =	vor.u32 v3, v4  }
0xa8: {  	v4 =	vperm.xlane v3, v0;
	_ =	sdelay $0x1  }
0xa9: {  	v4 =	vadd.s32 v1, v4;
	_ =	sdelay $0x3  }
0xaa: {  	s15 =	simm.s32 $0x13100  }
0xab: {  	[tilespmem:s15], [sflag:$0x5] =	stream.indirect_vreg.gather [hbm4b:s4+s2], $0x80, v4, vm0, $0xb8;
	[tilespmem:$0x18100] =	vst v63  }
0xac: {  	s18 =	simm.s32 $0x13900;
	v3 =	vperm.xlane v3, v2  }
0xad: {  	[tilespmem:s18], [sflag:$0x5] =	stream.indirect_vreg.gather [hbm4b:s6+s2], $0x80, v4, vm0, $0xb8;
	[tilespmem:$0x18100] =	vst v63  }
0xae: {  	s19 =	simm.s32 $0x14100;
	v3 =	vadd.s32 v1, v3  }
0xaf: {  	[tilespmem:s19], [sflag:$0x5] =	stream.indirect_vreg.gather [hbm4b:s7+s2], $0x80, v4, vm0, $0xb8;
	[tilespmem:$0x18100] =	vst v63  }
0xb0: {  	s24 =	simm.s32 $0x14900  }
0xb1: {  	[tilespmem:s24], [sflag:$0x5] =	stream.indirect_vreg.gather [hbm4b:s8+s2], $0x80, v4, vm1, $0xb8;
	[tilespmem:$0x18100] =	vst v63  }
0xb2: {  	_ = 	snop  }
0xb3: {  	[tilespmem:s25], [sflag:$0x5] =	stream.indirect_vreg.gather [hbm4b:s4+s2], $0x80, v3, vm0, $0xb8;
	[tilespmem:$0x18100] =	vst v63  }
0xb4: {  	_ = 	snop  }
0xb5: {  	[tilespmem:s26], [sflag:$0x5] =	stream.indirect_vreg.gather [hbm4b:s6+s2], $0x80, v3, vm0, $0xb8;
	[tilespmem:$0x18100] =	vst v63  }
0xb6: {  	s15 =	rddreg [dreg:$0x8]  }
0xb7: {  	[tilespmem:s28], [sflag:$0x5] =	stream.indirect_vreg.gather [hbm4b:s7+s2], $0x80, v3, vm0, $0xb8;
	[tilespmem:$0x18100] =	vst v63  }
0xb8: {  	s18 =	rddreg [dreg:$0x6]  }
0xb9: {  	[tilespmem:s29], [sflag:$0x5] =	stream.indirect_vreg.gather [hbm4b:s8+s2], $0x80, v3, vm1, $0xb8;
	[tilespmem:$0x18100] =	vst v63  }
0xba: {  	s14 =	simm.s32 $0x0;
	s19 =	rddreg [dreg:$0x5]  }
0xbb: {  	[tilespmem:s30], [sflag:$0x6] =	stream.indirect.gather [hbm4b:s3+s20], $0x80, s22, s20, $0xb8;
	[tilespmem:$0x18100] =	vst v63  }
.LBB2_2:
0xbc: {  	_ =	swait.ge [sflag:s31], $0xA800  }
0xbd: {  	[sflag:s31] =	ssyncset.done $0x0  }
0xbe: {  	[sflag:s31] =	ssyncadd.s32 $0xFFFF5800  }
0xbf: {  	p0 =	seq.s32 s14, $0xE4;
	_ =	swait.ge [sflag:s0], $0x1800  }
.Ltmp2:
0xc0: {  	[sflag:s0] =	ssyncset.done $0x0;
	(pc) =	sbr.rel @p0 .LBB2_4-.Ltmp2, $4  }
0xc1: {  	[sflag:s0] =	ssyncadd.s32 $0xFFFFE800  }
0xc2: {  	[hbm4b:s15+s2] =	stream.linear.scatter [tilespmem:s17], [sflag:$0x3], $0xA800, $0x38;
	[tilespmem:$0x18100] =	vst v63  }
0xc3: {  	s24 =	sadd.s32 $0xFFFFFD00, s19  }
0xc4: {  	[hbm4b:s24+s2] =	stream.linear.scatter [tilespmem:s21], [sflag:$0x4], $0x1800, $0x38;
	[tilespmem:$0x18100] =	vst v63  }
0xc5: {  	_ =	swait.ge [sflag:s10], $0xA800  }
0xc6: {  	[sflag:s10] =	ssyncset.done $0x0  }
0xc7: {  	[sflag:s10] =	ssyncadd.s32 $0xFFFF5800  }
0xc8: {  	_ =	swait.ge [sflag:s5], $0x1800  }
0xc9: {  	[sflag:s5] =	ssyncset.done $0x0;
	s24 =	rddreg [dreg:$0x7]  }
0xca: {  	[sflag:s5] =	ssyncadd.s32 $0xFFFFE800;
	s24 =	sadd.s32 s14, s24  }
0xcb: {  	[tilespmem:s2], [sflag:$0x9] =	stream.linear.gather [hbm4b:s24+s2], $0x30, $0x38;
	[tilespmem:$0x18100] =	vst v63  }
0xcc: {  	_ =	swait.ge [sflag:s16], $0x30  }
0xcd: {  	[sflag:s16] =	ssyncset.done $0x0  }
0xce: {  	[sflag:s16] =	ssyncadd.s32 $0xFFFFFFD0  }
0xcf: {  	v3 =	vld [tilespmem:$0x0];
	_ =	sdelay $0x4  }
0xd0: {  	v4 =	vshll.u32 v3, $0x3  }
0xd1: {  	v3 =	vand.u32 $0x7, v3;
	v4 =	vand.u32 $0xFFFFFFC0, v4  }
0xd2: {  	v3 =	vor.u32 v3, v4  }
0xd3: {  	v4 =	vperm.xlane v3, v0;
	_ =	sdelay $0x1  }
0xd4: {  	v4 =	vadd.s32 v1, v4;
	_ =	sdelay $0x4  }
0xd5: {  	[tilespmem:s17], [sflag:$0x1] =	stream.indirect_vreg.gather [hbm4b:s4+s2], $0x80, v4, vm0, $0xb8;
	[tilespmem:$0x18100] =	vst v63  }
0xd6: {  	s24 =	simm.s32 $0x880;
	v3 =	vperm.xlane v3, v2  }
0xd7: {  	[tilespmem:s24], [sflag:$0x1] =	stream.indirect_vreg.gather [hbm4b:s6+s2], $0x80, v4, vm0, $0xb8;
	[tilespmem:$0x18100] =	vst v63  }
0xd8: {  	v3 =	vadd.s32 v1, v3;
	s24 =	simm.s32 $0x1080  }
0xd9: {  	[tilespmem:s24], [sflag:$0x1] =	stream.indirect_vreg.gather [hbm4b:s7+s2], $0x80, v4, vm0, $0xb8;
	[tilespmem:$0x18100] =	vst v63  }
0xda: {  	s24 =	simm.s32 $0x1880  }
0xdb: {  	[tilespmem:s24], [sflag:$0x1] =	stream.indirect_vreg.gather [hbm4b:s8+s2], $0x80, v4, vm1, $0xb8;
	[tilespmem:$0x18100] =	vst v63  }
0xdc: {  	s24 =	simm.s32 $0x1C80  }
0xdd: {  	[tilespmem:s24], [sflag:$0x1] =	stream.indirect_vreg.gather [hbm4b:s4+s2], $0x80, v3, vm0, $0xb8;
	[tilespmem:$0x18100] =	vst v63  }
0xde: {  	s24 =	simm.s32 $0x2480  }
0xdf: {  	[tilespmem:s24], [sflag:$0x1] =	stream.indirect_vreg.gather [hbm4b:s6+s2], $0x80, v3, vm0, $0xb8;
	[tilespmem:$0x18100] =	vst v63  }
0xe0: {  	s24 =	simm.s32 $0x2C80  }
0xe1: {  	[tilespmem:s24], [sflag:$0x1] =	stream.indirect_vreg.gather [hbm4b:s7+s2], $0x80, v3, vm0, $0xb8;
	[tilespmem:$0x18100] =	vst v63  }
0xe2: {  	s24 =	simm.s32 $0x3480  }
0xe3: {  	[tilespmem:s24], [sflag:$0x1] =	stream.indirect_vreg.gather [hbm4b:s8+s2], $0x80, v3, vm1, $0xb8;
	[tilespmem:$0x18100] =	vst v63  }
0xe4: {  	v3 =	vld [tilespmem:$0x10];
	_ =	sdelay $0x4  }
0xe5: {  	v62 =	vshll.u32 v3, $0x3  }
0xe6: {  	v3 =	vand.u32 $0x7, v3;
	v4 =	vand.u32 $0xFFFFFFC0, v62  }
0xe7: {  	v3 =	vor.u32 v3, v4  }
0xe8: {  	v4 =	vperm.xlane v3, v0;
	_ =	sdelay $0x1  }
0xe9: {  	v4 =	vadd.s32 v1, v4;
	_ =	sdelay $0x3  }
0xea: {  	s24 =	simm.s32 $0x3880  }
0xeb: {  	[tilespmem:s24], [sflag:$0x1] =	stream.indirect_vreg.gather [hbm4b:s4+s2], $0x80, v4, vm0, $0xb8;
	[tilespmem:$0x18100] =	vst v63  }
0xec: {  	v3 =	vperm.xlane v3, v2;
	s24 =	simm.s32 $0x4080  }
0xed: {  	[tilespmem:s24], [sflag:$0x1] =	stream.indirect_vreg.gather [hbm4b:s6+s2], $0x80, v4, vm0, $0xb8;
	[tilespmem:$0x18100] =	vst v63  }
0xee: {  	v3 =	vadd.s32 v1, v3;
	s24 =	simm.s32 $0x4880  }
0xef: {  	[tilespmem:s24], [sflag:$0x1] =	stream.indirect_vreg.gather [hbm4b:s7+s2], $0x80, v4, vm0, $0xb8;
	[tilespmem:$0x18100] =	vst v63  }
0xf0: {  	s24 =	simm.s32 $0x5080  }
0xf1: {  	[tilespmem:s24], [sflag:$0x1] =	stream.indirect_vreg.gather [hbm4b:s8+s2], $0x80, v4, vm1, $0xb8;
	[tilespmem:$0x18100] =	vst v63  }
0xf2: {  	s24 =	simm.s32 $0x5480  }
0xf3: {  	[tilespmem:s24], [sflag:$0x1] =	stream.indirect_vreg.gather [hbm4b:s4+s2], $0x80, v3, vm0, $0xb8;
	[tilespmem:$0x18100] =	vst v63  }
0xf4: {  	s24 =	simm.s32 $0x5C80  }
0xf5: {  	[tilespmem:s24], [sflag:$0x1] =	stream.indirect_vreg.gather [hbm4b:s6+s2], $0x80, v3, vm0, $0xb8;
	[tilespmem:$0x18100] =	vst v63  }
0xf6: {  	s24 =	simm.s32 $0x6480  }
0xf7: {  	[tilespmem:s24], [sflag:$0x1] =	stream.indirect_vreg.gather [hbm4b:s7+s2], $0x80, v3, vm0, $0xb8;
	[tilespmem:$0x18100] =	vst v63  }
0xf8: {  	s24 =	simm.s32 $0x6C80  }
0xf9: {  	[tilespmem:s24], [sflag:$0x1] =	stream.indirect_vreg.gather [hbm4b:s8+s2], $0x80, v3, vm1, $0xb8;
	[tilespmem:$0x18100] =	vst v63  }
0xfa: {  	v3 =	vld [tilespmem:$0x20];
	_ =	sdelay $0x4  }
0xfb: {  	v63 =	vshll.u32 v3, $0x3  }
0xfc: {  	v3 =	vand.u32 $0x7, v3;
	v4 =	vand.u32 $0xFFFFFFC0, v63  }
0xfd: {  	v3 =	vor.u32 v3, v4  }
0xfe: {  	v4 =	vperm.xlane v3, v0;
	_ =	sdelay $0x1  }
0xff: {  	v4 =	vadd.s32 v1, v4;
	_ =	sdelay $0x3  }
0x100: {  	s24 =	simm.s32 $0x7080  }
0x101: {  	[tilespmem:s24], [sflag:$0x1] =	stream.indirect_vreg.gather [hbm4b:s4+s2], $0x80, v4, vm0, $0xb8;
	[tilespmem:$0x18100] =	vst v63  }
0x102: {  	v3 =	vperm.xlane v3, v2;
	s24 =	simm.s32 $0x7880  }
0x103: {  	[tilespmem:s24], [sflag:$0x1] =	stream.indirect_vreg.gather [hbm4b:s6+s2], $0x80, v4, vm0, $0xb8;
	[tilespmem:$0x18100] =	vst v63  }
0x104: {  	v3 =	vadd.s32 v1, v3;
	s24 =	simm.s32 $0x8080  }
0x105: {  	[tilespmem:s24], [sflag:$0x1] =	stream.indirect_vreg.gather [hbm4b:s7+s2], $0x80, v4, vm0, $0xb8;
	[tilespmem:$0x18100] =	vst v63  }
0x106: {  	s24 =	simm.s32 $0x8880  }
0x107: {  	[tilespmem:s24], [sflag:$0x1] =	stream.indirect_vreg.gather [hbm4b:s8+s2], $0x80, v4, vm1, $0xb8;
	[tilespmem:$0x18100] =	vst v63  }
0x108: {  	s24 =	simm.s32 $0x8C80  }
0x109: {  	[tilespmem:s24], [sflag:$0x1] =	stream.indirect_vreg.gather [hbm4b:s4+s2], $0x80, v3, vm0, $0xb8;
	[tilespmem:$0x18100] =	vst v63  }
0x10a: {  	s24 =	simm.s32 $0x9480  }
0x10b: {  	[tilespmem:s24], [sflag:$0x1] =	stream.indirect_vreg.gather [hbm4b:s6+s2], $0x80, v3, vm0, $0xb8;
	[tilespmem:$0x18100] =	vst v63  }
0x10c: {  	s24 =	simm.s32 $0x9C80  }
0x10d: {  	[tilespmem:s24], [sflag:$0x1] =	stream.indirect_vreg.gather [hbm4b:s7+s2], $0x80, v3, vm0, $0xb8;
	[tilespmem:$0x18100] =	vst v63  }
0x10e: {  	s24 =	simm.s32 $0xA480  }
0x10f: {  	[tilespmem:s24], [sflag:$0x1] =	stream.indirect_vreg.gather [hbm4b:s8+s2], $0x80, v3, vm1, $0xb8;
	[tilespmem:$0x18100] =	vst v63  }
0x110: {  	_ = 	snop  }
0x111: {  	[tilespmem:s21], [sflag:$0x2] =	stream.indirect.gather [hbm4b:s3+s20], $0x80, s2, s20, $0xb8;
	[tilespmem:$0x18100] =	vst v63  }
.LBB2_4:
0x112: {  	_ =	swait.ge [sflag:s1], $0xA800  }
0x113: {  	[sflag:s1] =	ssyncset.done $0x0  }
0x114: {  	[sflag:s1] =	ssyncadd.s32 $0xFFFF5800  }
0x115: {  	_ =	swait.ge [sflag:s9], $0x1800  }
.Ltmp3:
0x116: {  	[sflag:s9] =	ssyncset.done $0x0;
	(pc) =	sbr.rel @p0 .LBB2_6-.Ltmp3, $4  }
0x117: {  	[sflag:s9] =	ssyncadd.s32 $0xFFFFE800  }
0x118: {  	[hbm4b:s18+s2] =	stream.linear.scatter [tilespmem:s23], [sflag:$0x7], $0xA800, $0x38;
	[tilespmem:$0x18100] =	vst v63  }
0x119: {  	_ = 	snop  }
0x11a: {  	[hbm4b:s19+s2] =	stream.linear.scatter [tilespmem:s30], [sflag:$0x8], $0x1800, $0x38;
	[tilespmem:$0x18100] =	vst v63  }
0x11b: {  	_ =	swait.ge [sflag:s12], $0xA800  }
0x11c: {  	[sflag:s12] =	ssyncset.done $0x0  }
0x11d: {  	[sflag:s12] =	ssyncadd.s32 $0xFFFF5800  }
0x11e: {  	_ =	swait.ge [sflag:s13], $0x1800  }
0x11f: {  	[sflag:s13] =	ssyncset.done $0x0  }
0x120: {  	s24 =	sadd.s32 s14, s11;
	[sflag:s13] =	ssyncadd.s32 $0xFFFFE800  }
0x121: {  	[tilespmem:s22], [sflag:$0x9] =	stream.linear.gather [hbm4b:s24+s2], $0x30, $0x38;
	[tilespmem:$0x18100] =	vst v63  }
0x122: {  	_ =	swait.ge [sflag:s16], $0x30  }
0x123: {  	[sflag:s16] =	ssyncset.done $0x0  }
0x124: {  	[sflag:s16] =	ssyncadd.s32 $0xFFFFFFD0  }
0x125: {  	v3 =	vld [tilespmem:$0xC080];
	_ =	sdelay $0x4  }
0x126: {  	v4 =	vshll.u32 v3, $0x3  }
0x127: {  	v3 =	vand.u32 $0x7, v3;
	v4 =	vand.u32 $0xFFFFFFC0, v4  }
0x128: {  	v3 =	vor.u32 v3, v4  }
0x129: {  	v4 =	vperm.xlane v3, v0;
	_ =	sdelay $0x1  }
0x12a: {  	v4 =	vadd.s32 v1, v4;
	_ =	sdelay $0x4  }
0x12b: {  	[tilespmem:s23], [sflag:$0x5] =	stream.indirect_vreg.gather [hbm4b:s4+s2], $0x80, v4, vm0, $0xb8;
	[tilespmem:$0x18100] =	vst v63  }
0x12c: {  	s24 =	simm.s32 $0xC900;
	v3 =	vperm.xlane v3, v2  }
0x12d: {  	[tilespmem:s24], [sflag:$0x5] =	stream.indirect_vreg.gather [hbm4b:s6+s2], $0x80, v4, vm0, $0xb8;
	[tilespmem:$0x18100] =	vst v63  }
0x12e: {  	v3 =	vadd.s32 v1, v3;
	s24 =	simm.s32 $0xD100  }
0x12f: {  	[tilespmem:s24], [sflag:$0x5] =	stream.indirect_vreg.gather [hbm4b:s7+s2], $0x80, v4, vm0, $0xb8;
	[tilespmem:$0x18100] =	vst v63  }
0x130: {  	s24 =	simm.s32 $0xD900  }
0x131: {  	[tilespmem:s24], [sflag:$0x5] =	stream.indirect_vreg.gather [hbm4b:s8+s2], $0x80, v4, vm1, $0xb8;
	[tilespmem:$0x18100] =	vst v63  }
0x132: {  	s24 =	simm.s32 $0xDD00  }
0x133: {  	[tilespmem:s24], [sflag:$0x5] =	stream.indirect_vreg.gather [hbm4b:s4+s2], $0x80, v3, vm0, $0xb8;
	[tilespmem:$0x18100] =	vst v63  }
0x134: {  	s24 =	simm.s32 $0xE500  }
0x135: {  	[tilespmem:s24], [sflag:$0x5] =	stream.indirect_vreg.gather [hbm4b:s6+s2], $0x80, v3, vm0, $0xb8;
	[tilespmem:$0x18100] =	vst v63  }
0x136: {  	s24 =	simm.s32 $0xED00  }
0x137: {  	[tilespmem:s24], [sflag:$0x5] =	stream.indirect_vreg.gather [hbm4b:s7+s2], $0x80, v3, vm0, $0xb8;
	[tilespmem:$0x18100] =	vst v63  }
0x138: {  	s24 =	simm.s32 $0xF500  }
0x139: {  	[tilespmem:s24], [sflag:$0x5] =	stream.indirect_vreg.gather [hbm4b:s8+s2], $0x80, v3, vm1, $0xb8;
	[tilespmem:$0x18100] =	vst v63  }
0x13a: {  	v3 =	vld [tilespmem:$0xC090];
	_ =	sdelay $0x4  }
0x13b: {  	v62 =	vshll.u32 v3, $0x3  }
0x13c: {  	v3 =	vand.u32 $0x7, v3;
	v4 =	vand.u32 $0xFFFFFFC0, v62  }
0x13d: {  	v3 =	vor.u32 v3, v4  }
0x13e: {  	v4 =	vperm.xlane v3, v0;
	_ =	sdelay $0x1  }
0x13f: {  	v4 =	vadd.s32 v1, v4;
	_ =	sdelay $0x3  }
0x140: {  	s24 =	simm.s32 $0xF900  }
0x141: {  	[tilespmem:s24], [sflag:$0x5] =	stream.indirect_vreg.gather [hbm4b:s4+s2], $0x80, v4, vm0, $0xb8;
	[tilespmem:$0x18100] =	vst v63  }
0x142: {  	v3 =	vperm.xlane v3, v2;
	s24 =	simm.s32 $0x10100  }
0x143: {  	[tilespmem:s24], [sflag:$0x5] =	stream.indirect_vreg.gather [hbm4b:s6+s2], $0x80, v4, vm0, $0xb8;
	[tilespmem:$0x18100] =	vst v63  }
0x144: {  	v3 =	vadd.s32 v1, v3;
	s24 =	simm.s32 $0x10900  }
0x145: {  	[tilespmem:s24], [sflag:$0x5] =	stream.indirect_vreg.gather [hbm4b:s7+s2], $0x80, v4, vm0, $0xb8;
	[tilespmem:$0x18100] =	vst v63  }
0x146: {  	s24 =	simm.s32 $0x11100  }
0x147: {  	[tilespmem:s24], [sflag:$0x5] =	stream.indirect_vreg.gather [hbm4b:s8+s2], $0x80, v4, vm1, $0xb8;
	[tilespmem:$0x18100] =	vst v63  }
0x148: {  	s24 =	simm.s32 $0x11500  }
0x149: {  	[tilespmem:s24], [sflag:$0x5] =	stream.indirect_vreg.gather [hbm4b:s4+s2], $0x80, v3, vm0, $0xb8;
	[tilespmem:$0x18100] =	vst v63  }
0x14a: {  	s24 =	simm.s32 $0x11D00  }
0x14b: {  	[tilespmem:s24], [sflag:$0x5] =	stream.indirect_vreg.gather [hbm4b:s6+s2], $0x80, v3, vm0, $0xb8;
	[tilespmem:$0x18100] =	vst v63  }
0x14c: {  	s24 =	simm.s32 $0x12500  }
0x14d: {  	[tilespmem:s24], [sflag:$0x5] =	stream.indirect_vreg.gather [hbm4b:s7+s2], $0x80, v3, vm0, $0xb8;
	[tilespmem:$0x18100] =	vst v63  }
0x14e: {  	s24 =	simm.s32 $0x12D00  }
0x14f: {  	[tilespmem:s24], [sflag:$0x5] =	stream.indirect_vreg.gather [hbm4b:s8+s2], $0x80, v3, vm1, $0xb8;
	[tilespmem:$0x18100] =	vst v63  }
0x150: {  	v3 =	vld [tilespmem:$0xC0A0];
	_ =	sdelay $0x4  }
0x151: {  	v63 =	vshll.u32 v3, $0x3  }
0x152: {  	v3 =	vand.u32 $0x7, v3;
	v4 =	vand.u32 $0xFFFFFFC0, v63  }
0x153: {  	v3 =	vor.u32 v3, v4  }
0x154: {  	v4 =	vperm.xlane v3, v0;
	_ =	sdelay $0x1  }
0x155: {  	v4 =	vadd.s32 v1, v4;
	_ =	sdelay $0x3  }
0x156: {  	s24 =	simm.s32 $0x13100  }
0x157: {  	[tilespmem:s24], [sflag:$0x5] =	stream.indirect_vreg.gather [hbm4b:s4+s2], $0x80, v4, vm0, $0xb8;
	[tilespmem:$0x18100] =	vst v63  }
0x158: {  	v3 =	vperm.xlane v3, v2;
	s24 =	simm.s32 $0x13900  }
0x159: {  	[tilespmem:s24], [sflag:$0x5] =	stream.indirect_vreg.gather [hbm4b:s6+s2], $0x80, v4, vm0, $0xb8;
	[tilespmem:$0x18100] =	vst v63  }
0x15a: {  	v3 =	vadd.s32 v1, v3;
	s24 =	simm.s32 $0x14100  }
0x15b: {  	[tilespmem:s24], [sflag:$0x5] =	stream.indirect_vreg.gather [hbm4b:s7+s2], $0x80, v4, vm0, $0xb8;
	[tilespmem:$0x18100] =	vst v63  }
0x15c: {  	s24 =	simm.s32 $0x14900  }
0x15d: {  	[tilespmem:s24], [sflag:$0x5] =	stream.indirect_vreg.gather [hbm4b:s8+s2], $0x80, v4, vm1, $0xb8;
	[tilespmem:$0x18100] =	vst v63  }
0x15e: {  	_ = 	snop  }
0x15f: {  	[tilespmem:s25], [sflag:$0x5] =	stream.indirect_vreg.gather [hbm4b:s4+s2], $0x80, v3, vm0, $0xb8;
	[tilespmem:$0x18100] =	vst v63  }
0x160: {  	_ = 	snop  }
0x161: {  	[tilespmem:s26], [sflag:$0x5] =	stream.indirect_vreg.gather [hbm4b:s6+s2], $0x80, v3, vm0, $0xb8;
	[tilespmem:$0x18100] =	vst v63  }
0x162: {  	_ = 	snop  }
0x163: {  	[tilespmem:s28], [sflag:$0x5] =	stream.indirect_vreg.gather [hbm4b:s7+s2], $0x80, v3, vm0, $0xb8;
	[tilespmem:$0x18100] =	vst v63  }
.Ltmp4:
0x164: {  	_ = 	snop;
	(pc) =	sbr.rel .LBB2_2-.Ltmp4, $4  }
0x165: {  	s14 =	sadd.s32 $0xC, s14  }
0x166: {  	[tilespmem:s29], [sflag:$0x5] =	stream.indirect_vreg.gather [hbm4b:s8+s2], $0x80, v3, vm1, $0xb8;
	[tilespmem:$0x18100] =	vst v63  }
0x167: {  	s19 =	sadd.s32 $0x600, s19;
	s18 =	sadd.s32 $0x2A00, s18;
	s15 =	sadd.s32 $0x2A00, s15  }
0x168: {  	[tilespmem:s30], [sflag:$0x6] =	stream.indirect.gather [hbm4b:s3+s20], $0x80, s22, s20, $0xb8;
	[tilespmem:$0x18100] =	vst v63  }
.LBB2_7:
0x169: {  	_ =	sfence.sel $0x180000  }
0x16a: {  	[bflag:$0x0] =	sbarrier.arrive $0xFFFF  }
0x16b: {  	_ =	strace $0x90000047  }
0x16c: {  	s0 =	stileid.u32;
	[bflag:$0x2] =	sbarrier.arrive $0xFFFF  }
0x16d: {  	p0 =	sne.s32 s0, $0x0;
	s0 =	rddreg [dreg:$0x1]  }
0x16e: {  	s0 =	sadd.s32 @!p0 $0x100000, s0  }
0x16f: {  	[sflag:s0] =	ssyncadd.tile.s32 @!p0 $0x1;
	_ =	shalt  }
.Lfunc_end2:
_tile_overlayer_lowered:
.L_overlay_start_2:
0x170: {  	(tag) =	ssettag $0x2  }
0x171: {  	s0 =	rddreg [dreg:$0x0];
	s2 =	stileid.u32  }
0x172: {  	s1 =	rddreg [dreg:$0x1];
	p0 =	sne.s32 s2, $0x0  }
0x173: {  	s3 =	rddreg [dreg:$0x2];
	[bflag:$0x3] =	sbarrier.arrive $0xFFFF;
	s2 =	simm.s32 @!p0 $0x1C09  }
0x174: {  	[timem:s3], [sflag:s2] =	dma.local @!p0 [hbm:s0], s1  }
0x175: {  	s0 =	simm.s32 @!p0 $0x9  }
0x176: {  	_ =	swait.ge @!p0 [sflag:s0], s1  }
0x177: {  	s1 =	ssub.s32 @!p0 $0x0, s1;
	[sflag:s0] =	ssyncset.done @!p0 $0x0  }
0x178: {  	[sflag:s0] =	ssyncadd.s32 @!p0 s1  }
0x179: {  	[bflag:$0x3] =	sbarrier.arrive $0xFFFF  }
0x17a: {  	_ =	shalt  }

</sc_bundles>
